<compile_context>
chip_gen: v7x
topology: tpu7x:2x2x1
jax: 0.10.2.dev20260603
libtpu: 0.0.44.dev20260713+nightly
codegen_flags: <defaults>
</compile_context>

<pallas_src>
import functools

import jax
import jax.numpy as jnp
from jax import lax
from jax.experimental import pallas as pl
from jax.experimental.pallas import tpu as pltpu
from jax.experimental.pallas import tpu_sc as plsc

BATCH = 4096
SEQ = 50
SEQP = 56
EMB = 300
EMBP = 384
VOCAB = 100000
NP = BATCH * SEQP

NC = 2
NS = 16
NW = NC * NS
PER_W = NP // NW
CHUNK = 64
NCH = PER_W // CHUNK

_mesh = plsc.VectorSubcoreMesh(
    core_axis_name="c", subcore_axis_name="s", num_cores=NC, num_subcores=NS
)


@functools.partial(
    pl.kernel,
    out_type=jax.ShapeDtypeStruct((NP, EMBP), jnp.float32),
    mesh=_mesh,
    scratch_types=[
        pltpu.VMEM((PER_W,), jnp.int32),
        pltpu.VMEM((CHUNK, EMBP), jnp.float32),
        pltpu.VMEM((CHUNK, EMBP), jnp.float32),
        pltpu.VMEM((CHUNK, EMBP), jnp.float32),
        pltpu.VMEM((CHUNK, EMBP), jnp.float32),
        pltpu.SemaphoreType.DMA,
        pltpu.SemaphoreType.DMA,
        pltpu.SemaphoreType.DMA,
        pltpu.SemaphoreType.DMA,
        pltpu.SemaphoreType.DMA,
        pltpu.SemaphoreType.DMA,
        pltpu.SemaphoreType.DMA,
        pltpu.SemaphoreType.DMA,
    ],
    compiler_params=pltpu.CompilerParams(use_tc_tiling_on_sc=True),
)
def _emb_lookup(idx_hbm, table_hbm, tail_hbm, out_hbm, idx_v,
                buf0, buf1, buf2, buf3,
                gsem0, gsem1, gsem2, gsem3, ssem0, ssem1, ssem2, ssem3):
    wid = lax.axis_index("s") * NC + lax.axis_index("c")
    base = wid * PER_W
    pltpu.sync_copy(idx_hbm.at[pl.ds(base, PER_W)], idx_v)

    bufs = (buf0, buf1, buf2, buf3)
    gsems = (gsem0, gsem1, gsem2, gsem3)
    ssems = (ssem0, ssem1, ssem2, ssem3)

    def start_gathers(g, b):
        idx = idx_v.at[pl.ds(g * CHUNK, CHUNK)]
        pltpu.async_copy(table_hbm.at[idx, pl.ds(0, 128)],
                         bufs[b].at[:, pl.ds(0, 128)], gsems[b])
        pltpu.async_copy(table_hbm.at[idx, pl.ds(128, 128)],
                         bufs[b].at[:, pl.ds(128, 128)], gsems[b])
        pltpu.async_copy(tail_hbm.at[idx],
                         bufs[b].at[:, pl.ds(256, 128)], gsems[b])

    def wait_gathers(b):
        pltpu.make_async_copy(out_hbm.at[pl.ds(0, CHUNK)], bufs[b],
                              gsems[b]).wait()

    def start_store(g, b):
        pltpu.async_copy(bufs[b], out_hbm.at[pl.ds(base + g * CHUNK, CHUNK)],
                         ssems[b])

    def wait_store(b):
        pltpu.make_async_copy(bufs[b], out_hbm.at[pl.ds(0, CHUNK)],
                              ssems[b]).wait()

    for b in range(4):
        start_gathers(b, b)

    @pl.loop(0, NCH, step=4)
    def _quad(g):
        for b in range(4):
            wait_gathers(b)
            start_store(g + b, b)
        for b in range(4):
            @pl.when(g + b + 4 < NCH)
            def _(b=b):
                wait_store(b)
                start_gathers(g + b + 4, b)

    for b in range(4):
        wait_store(b)


def kernel(indices, table):
    dummy = (jnp.arange(BATCH * (SEQP - SEQ), dtype=jnp.int32) % VOCAB).reshape(
        BATCH, SEQP - SEQ
    )
    idx_pad = jnp.concatenate([indices, dummy], axis=1).reshape(NP)
    tail = jnp.concatenate(
        [table[:, 256:], jnp.zeros((VOCAB, EMBP - EMB), jnp.float32)], axis=1
    )
    out = _emb_lookup(idx_pad, table, tail)
    return out.reshape(BATCH, SEQP, EMBP)[:, :SEQ, :EMB]

# --- scband reference (transcript-rebuilt; emitter-appended) ---
"""Pipeline reference for scband-bi-mpm-86620900425872 (READ-ONLY COPY).

The authoritative reference and input builder live on the scoring server;
editing this copy changes nothing except your own understanding.
"""

import jax, jax.numpy as jnp
import numpy as np

VOCAB = 100000
EMB = 300
PAD_IDX = 0
BATCH = 4096
SEQ = 50


def setup_inputs(seed: int = 0) -> dict:
    key = jax.random.key(seed)
    k1, k2 = jax.random.split(key)
    # Pretrained fastText-style embedding table; padding row is zero.
    table = jax.random.normal(k1, (VOCAB, EMB), dtype=jnp.float32)
    table = table.at[PAD_IDX].set(0.0)
    indices = jax.random.randint(k2, (BATCH, SEQ), 0, VOCAB, dtype=jnp.int32)
    return {"indices": indices, "table": table}


def reference(indices, table):
    # nn.Embedding forward: row gather from the embedding matrix.
    out = jnp.take(table, indices, axis=0)  # [BATCH, SEQ, EMB]
    return out

if __name__ == "__main__":
    import jax
    _d = setup_inputs()
    print(jax.jit(kernel)(*tuple(_d.values())))

</pallas_src>

<mosaic_0001>
#map = affine_map<(d0, d1) -> (0)>
#map1 = affine_map<(d0, d1) -> (0, 0)>
module attributes {stable_mosaic.version = 14 : i64} {
  func.func @_emb_lookup(%arg0: i32, %arg1: i32, %arg2: memref<229376xi32, #tpu.memory_space<hbm>>, %arg3: memref<100000x300xf32, #tpu.memory_space<hbm>>, %arg4: memref<100000x128xf32, #tpu.memory_space<hbm>>, %arg5: memref<229376x384xf32, #tpu.memory_space<hbm>>, %arg6: memref<7168xi32, #tpu.memory_space<vmem>>, %arg7: memref<64x384xf32, #tpu.memory_space<vmem>>, %arg8: memref<64x384xf32, #tpu.memory_space<vmem>>, %arg9: memref<64x384xf32, #tpu.memory_space<vmem>>, %arg10: memref<64x384xf32, #tpu.memory_space<vmem>>, %arg11: memref<!tpu.dma_semaphore, #tpu.memory_space<semaphore_mem>>, %arg12: memref<!tpu.dma_semaphore, #tpu.memory_space<semaphore_mem>>, %arg13: memref<!tpu.dma_semaphore, #tpu.memory_space<semaphore_mem>>, %arg14: memref<!tpu.dma_semaphore, #tpu.memory_space<semaphore_mem>>, %arg15: memref<!tpu.dma_semaphore, #tpu.memory_space<semaphore_mem>>, %arg16: memref<!tpu.dma_semaphore, #tpu.memory_space<semaphore_mem>>, %arg17: memref<!tpu.dma_semaphore, #tpu.memory_space<semaphore_mem>>, %arg18: memref<!tpu.dma_semaphore, #tpu.memory_space<semaphore_mem>>) attributes {dimension_semantics = [#tpu.dimension_semantics<core_parallel>, #tpu.dimension_semantics<subcore_parallel>], iteration_bounds = array<i64: 2, 16>, scalar_prefetch = 0 : i64, scratch_operands = 13 : i64, tpu.core_type = #tpu.core_type<sc_vector_subcore>, window_params = [{transform_indices = #map}, {transform_indices = #map1}, {transform_indices = #map1}, {transform_indices = #map1}]} {
    %mul3A = arith.constant 2 : i32
    %mul3A_0 = arith.muli %arg1, %mul3A : i32
    %add3A = arith.addi %mul3A_0, %arg0 : i32
    %mul3A_1 = arith.constant 7168 : i32
    %mul3A_2 = arith.muli %add3A, %mul3A_1 : i32
    "tpu.region"() ({
      %run_scoped3A = tpu.sem_alloc : memref<!tpu.dma_semaphore, #tpu.memory_space<semaphore_mem>>
      %dma_start3A_125 = tpu.memref_slice %arg2[%mul3A_2] : memref<229376xi32, #tpu.memory_space<hbm>> -> memref<7168xi32, #tpu.memory_space<hbm>>
      %dma_start3A_126 = tpu.memref_slice %arg2[%mul3A_2] : memref<229376xi32, #tpu.memory_space<hbm>> -> memref<7168xi32, #tpu.memory_space<hbm>>
      tpu.enqueue_dma source(%dma_start3A_126 : memref<7168xi32, #tpu.memory_space<hbm>>) target(%arg6 : memref<7168xi32, #tpu.memory_space<vmem>>) target_semaphore(%run_scoped3A : memref<!tpu.dma_semaphore, #tpu.memory_space<semaphore_mem>>)
      %dma_wait3A_127 = tpu.memref_slice %arg2[%mul3A_2] : memref<229376xi32, #tpu.memory_space<hbm>> -> memref<7168xi32, #tpu.memory_space<hbm>>
      %dma_wait3A_128 = tpu.memref_slice %arg2[%mul3A_2] : memref<229376xi32, #tpu.memory_space<hbm>> -> memref<7168xi32, #tpu.memory_space<hbm>>
      tpu.wait_dma2 semaphore(%run_scoped3A : memref<!tpu.dma_semaphore, #tpu.memory_space<semaphore_mem>>) src(%dma_wait3A_128 : memref<7168xi32, #tpu.memory_space<hbm>>) dst(%arg6 : memref<7168xi32, #tpu.memory_space<vmem>>)
      tpu.yield
    }) : () -> ()
    %dma_start3A = arith.constant 0 : i32
    %dma_start3A_3 = arith.constant 0 : i32
    %dma_start3A_4 = tpu.memref_slice %arg7[%dma_start3A, %dma_start3A_3] : memref<64x384xf32, #tpu.memory_space<vmem>> -> memref<64x128xf32, #tpu.memory_space<vmem>>
    %dma_start3A_5 = arith.constant 0 : i32
    %dma_start3A_6 = tpu.memref_slice %arg6[%dma_start3A_5] : memref<7168xi32, #tpu.memory_space<vmem>> -> memref<64xi32, #tpu.memory_space<vmem>>
    %dma_start3A_7 = arith.constant 0 : i32
    %dma_start3A_8 = arith.constant 0 : i32
    %dma_start3A_9 = tpu.memref_slice %arg3[%dma_start3A_7, %dma_start3A_8] : memref<100000x300xf32, #tpu.memory_space<hbm>> -> memref<100000x128xf32, #tpu.memory_space<hbm>>
    tpu.enqueue_indirect_dma source(%dma_start3A_9 : memref<100000x128xf32, #tpu.memory_space<hbm>>) target(%dma_start3A_4 : memref<64x128xf32, #tpu.memory_space<vmem>>) offsets(%dma_start3A_6 : memref<64xi32, #tpu.memory_space<vmem>>) semaphore(%arg11 : memref<!tpu.dma_semaphore, #tpu.memory_space<semaphore_mem>>)
    %dma_start3A_10 = arith.constant 0 : i32
    %dma_start3A_11 = arith.constant 128 : i32
    %dma_start3A_12 = tpu.memref_slice %arg7[%dma_start3A_10, %dma_start3A_11] : memref<64x384xf32, #tpu.memory_space<vmem>> -> memref<64x128xf32, #tpu.memory_space<vmem>>
    %dma_start3A_13 = arith.constant 0 : i32
    %dma_start3A_14 = tpu.memref_slice %arg6[%dma_start3A_13] : memref<7168xi32, #tpu.memory_space<vmem>> -> memref<64xi32, #tpu.memory_space<vmem>>
    %dma_start3A_15 = arith.constant 0 : i32
    %dma_start3A_16 = arith.constant 128 : i32
    %dma_start3A_17 = tpu.memref_slice %arg3[%dma_start3A_15, %dma_start3A_16] : memref<100000x300xf32, #tpu.memory_space<hbm>> -> memref<100000x128xf32, #tpu.memory_space<hbm>>
    tpu.enqueue_indirect_dma source(%dma_start3A_17 : memref<100000x128xf32, #tpu.memory_space<hbm>>) target(%dma_start3A_12 : memref<64x128xf32, #tpu.memory_space<vmem>>) offsets(%dma_start3A_14 : memref<64xi32, #tpu.memory_space<vmem>>) semaphore(%arg11 : memref<!tpu.dma_semaphore, #tpu.memory_space<semaphore_mem>>)
    %dma_start3A_18 = arith.constant 0 : i32
    %dma_start3A_19 = arith.constant 256 : i32
    %dma_start3A_20 = tpu.memref_slice %arg7[%dma_start3A_18, %dma_start3A_19] : memref<64x384xf32, #tpu.memory_space<vmem>> -> memref<64x128xf32, #tpu.memory_space<vmem>>
    %dma_start3A_21 = arith.constant 0 : i32
    %dma_start3A_22 = tpu.memref_slice %arg6[%dma_start3A_21] : memref<7168xi32, #tpu.memory_space<vmem>> -> memref<64xi32, #tpu.memory_space<vmem>>
    %dma_start3A_23 = arith.constant 0 : i32
    %dma_start3A_24 = arith.constant 0 : i32
    %dma_start3A_25 = tpu.memref_slice %arg4[%dma_start3A_23, %dma_start3A_24] : memref<100000x128xf32, #tpu.memory_space<hbm>> -> memref<100000x128xf32, #tpu.memory_space<hbm>>
    tpu.enqueue_indirect_dma source(%dma_start3A_25 : memref<100000x128xf32, #tpu.memory_space<hbm>>) target(%dma_start3A_20 : memref<64x128xf32, #tpu.memory_space<vmem>>) offsets(%dma_start3A_22 : memref<64xi32, #tpu.memory_space<vmem>>) semaphore(%arg11 : memref<!tpu.dma_semaphore, #tpu.memory_space<semaphore_mem>>)
    %dma_start3A_26 = arith.constant 0 : i32
    %dma_start3A_27 = arith.constant 0 : i32
    %dma_start3A_28 = tpu.memref_slice %arg8[%dma_start3A_26, %dma_start3A_27] : memref<64x384xf32, #tpu.memory_space<vmem>> -> memref<64x128xf32, #tpu.memory_space<vmem>>
    %dma_start3A_29 = arith.constant 64 : i32
    %dma_start3A_30 = tpu.memref_slice %arg6[%dma_start3A_29] : memref<7168xi32, #tpu.memory_space<vmem>> -> memref<64xi32, #tpu.memory_space<vmem>>
    %dma_start3A_31 = arith.constant 0 : i32
    %dma_start3A_32 = arith.constant 0 : i32
    %dma_start3A_33 = tpu.memref_slice %arg3[%dma_start3A_31, %dma_start3A_32] : memref<100000x300xf32, #tpu.memory_space<hbm>> -> memref<100000x128xf32, #tpu.memory_space<hbm>>
    tpu.enqueue_indirect_dma source(%dma_start3A_33 : memref<100000x128xf32, #tpu.memory_space<hbm>>) target(%dma_start3A_28 : memref<64x128xf32, #tpu.memory_space<vmem>>) offsets(%dma_start3A_30 : memref<64xi32, #tpu.memory_space<vmem>>) semaphore(%arg12 : memref<!tpu.dma_semaphore, #tpu.memory_space<semaphore_mem>>)
    %dma_start3A_34 = arith.constant 0 : i32
    %dma_start3A_35 = arith.constant 128 : i32
    %dma_start3A_36 = tpu.memref_slice %arg8[%dma_start3A_34, %dma_start3A_35] : memref<64x384xf32, #tpu.memory_space<vmem>> -> memref<64x128xf32, #tpu.memory_space<vmem>>
    %dma_start3A_37 = arith.constant 64 : i32
    %dma_start3A_38 = tpu.memref_slice %arg6[%dma_start3A_37] : memref<7168xi32, #tpu.memory_space<vmem>> -> memref<64xi32, #tpu.memory_space<vmem>>
    %dma_start3A_39 = arith.constant 0 : i32
    %dma_start3A_40 = arith.constant 128 : i32
    %dma_start3A_41 = tpu.memref_slice %arg3[%dma_start3A_39, %dma_start3A_40] : memref<100000x300xf32, #tpu.memory_space<hbm>> -> memref<100000x128xf32, #tpu.memory_space<hbm>>
    tpu.enqueue_indirect_dma source(%dma_start3A_41 : memref<100000x128xf32, #tpu.memory_space<hbm>>) target(%dma_start3A_36 : memref<64x128xf32, #tpu.memory_space<vmem>>) offsets(%dma_start3A_38 : memref<64xi32, #tpu.memory_space<vmem>>) semaphore(%arg12 : memref<!tpu.dma_semaphore, #tpu.memory_space<semaphore_mem>>)
    %dma_start3A_42 = arith.constant 0 : i32
    %dma_start3A_43 = arith.constant 256 : i32
    %dma_start3A_44 = tpu.memref_slice %arg8[%dma_start3A_42, %dma_start3A_43] : memref<64x384xf32, #tpu.memory_space<vmem>> -> memref<64x128xf32, #tpu.memory_space<vmem>>
    %dma_start3A_45 = arith.constant 64 : i32
    %dma_start3A_46 = tpu.memref_slice %arg6[%dma_start3A_45] : memref<7168xi32, #tpu.memory_space<vmem>> -> memref<64xi32, #tpu.memory_space<vmem>>
    %dma_start3A_47 = arith.constant 0 : i32
    %dma_start3A_48 = arith.constant 0 : i32
    %dma_start3A_49 = tpu.memref_slice %arg4[%dma_start3A_47, %dma_start3A_48] : memref<100000x128xf32, #tpu.memory_space<hbm>> -> memref<100000x128xf32, #tpu.memory_space<hbm>>
    tpu.enqueue_indirect_dma source(%dma_start3A_49 : memref<100000x128xf32, #tpu.memory_space<hbm>>) target(%dma_start3A_44 : memref<64x128xf32, #tpu.memory_space<vmem>>) offsets(%dma_start3A_46 : memref<64xi32, #tpu.memory_space<vmem>>) semaphore(%arg12 : memref<!tpu.dma_semaphore, #tpu.memory_space<semaphore_mem>>)
    %dma_start3A_50 = arith.constant 0 : i32
    %dma_start3A_51 = arith.constant 0 : i32
    %dma_start3A_52 = tpu.memref_slice %arg9[%dma_start3A_50, %dma_start3A_51] : memref<64x384xf32, #tpu.memory_space<vmem>> -> memref<64x128xf32, #tpu.memory_space<vmem>>
    %dma_start3A_53 = arith.constant 128 : i32
    %dma_start3A_54 = tpu.memref_slice %arg6[%dma_start3A_53] : memref<7168xi32, #tpu.memory_space<vmem>> -> memref<64xi32, #tpu.memory_space<vmem>>
    %dma_start3A_55 = arith.constant 0 : i32
    %dma_start3A_56 = arith.constant 0 : i32
    %dma_start3A_57 = tpu.memref_slice %arg3[%dma_start3A_55, %dma_start3A_56] : memref<100000x300xf32, #tpu.memory_space<hbm>> -> memref<100000x128xf32, #tpu.memory_space<hbm>>
    tpu.enqueue_indirect_dma source(%dma_start3A_57 : memref<100000x128xf32, #tpu.memory_space<hbm>>) target(%dma_start3A_52 : memref<64x128xf32, #tpu.memory_space<vmem>>) offsets(%dma_start3A_54 : memref<64xi32, #tpu.memory_space<vmem>>) semaphore(%arg13 : memref<!tpu.dma_semaphore, #tpu.memory_space<semaphore_mem>>)
    %dma_start3A_58 = arith.constant 0 : i32
    %dma_start3A_59 = arith.constant 128 : i32
    %dma_start3A_60 = tpu.memref_slice %arg9[%dma_start3A_58, %dma_start3A_59] : memref<64x384xf32, #tpu.memory_space<vmem>> -> memref<64x128xf32, #tpu.memory_space<vmem>>
    %dma_start3A_61 = arith.constant 128 : i32
    %dma_start3A_62 = tpu.memref_slice %arg6[%dma_start3A_61] : memref<7168xi32, #tpu.memory_space<vmem>> -> memref<64xi32, #tpu.memory_space<vmem>>
    %dma_start3A_63 = arith.constant 0 : i32
    %dma_start3A_64 = arith.constant 128 : i32
    %dma_start3A_65 = tpu.memref_slice %arg3[%dma_start3A_63, %dma_start3A_64] : memref<100000x300xf32, #tpu.memory_space<hbm>> -> memref<100000x128xf32, #tpu.memory_space<hbm>>
    tpu.enqueue_indirect_dma source(%dma_start3A_65 : memref<100000x128xf32, #tpu.memory_space<hbm>>) target(%dma_start3A_60 : memref<64x128xf32, #tpu.memory_space<vmem>>) offsets(%dma_start3A_62 : memref<64xi32, #tpu.memory_space<vmem>>) semaphore(%arg13 : memref<!tpu.dma_semaphore, #tpu.memory_space<semaphore_mem>>)
    %dma_start3A_66 = arith.constant 0 : i32
    %dma_start3A_67 = arith.constant 256 : i32
    %dma_start3A_68 = tpu.memref_slice %arg9[%dma_start3A_66, %dma_start3A_67] : memref<64x384xf32, #tpu.memory_space<vmem>> -> memref<64x128xf32, #tpu.memory_space<vmem>>
    %dma_start3A_69 = arith.constant 128 : i32
    %dma_start3A_70 = tpu.memref_slice %arg6[%dma_start3A_69] : memref<7168xi32, #tpu.memory_space<vmem>> -> memref<64xi32, #tpu.memory_space<vmem>>
    %dma_start3A_71 = arith.constant 0 : i32
    %dma_start3A_72 = arith.constant 0 : i32
    %dma_start3A_73 = tpu.memref_slice %arg4[%dma_start3A_71, %dma_start3A_72] : memref<100000x128xf32, #tpu.memory_space<hbm>> -> memref<100000x128xf32, #tpu.memory_space<hbm>>
    tpu.enqueue_indirect_dma source(%dma_start3A_73 : memref<100000x128xf32, #tpu.memory_space<hbm>>) target(%dma_start3A_68 : memref<64x128xf32, #tpu.memory_space<vmem>>) offsets(%dma_start3A_70 : memref<64xi32, #tpu.memory_space<vmem>>) semaphore(%arg13 : memref<!tpu.dma_semaphore, #tpu.memory_space<semaphore_mem>>)
    %dma_start3A_74 = arith.constant 0 : i32
    %dma_start3A_75 = arith.constant 0 : i32
    %dma_start3A_76 = tpu.memref_slice %arg10[%dma_start3A_74, %dma_start3A_75] : memref<64x384xf32, #tpu.memory_space<vmem>> -> memref<64x128xf32, #tpu.memory_space<vmem>>
    %dma_start3A_77 = arith.constant 192 : i32
    %dma_start3A_78 = tpu.memref_slice %arg6[%dma_start3A_77] : memref<7168xi32, #tpu.memory_space<vmem>> -> memref<64xi32, #tpu.memory_space<vmem>>
    %dma_start3A_79 = arith.constant 0 : i32
    %dma_start3A_80 = arith.constant 0 : i32
    %dma_start3A_81 = tpu.memref_slice %arg3[%dma_start3A_79, %dma_start3A_80] : memref<100000x300xf32, #tpu.memory_space<hbm>> -> memref<100000x128xf32, #tpu.memory_space<hbm>>
    tpu.enqueue_indirect_dma source(%dma_start3A_81 : memref<100000x128xf32, #tpu.memory_space<hbm>>) target(%dma_start3A_76 : memref<64x128xf32, #tpu.memory_space<vmem>>) offsets(%dma_start3A_78 : memref<64xi32, #tpu.memory_space<vmem>>) semaphore(%arg14 : memref<!tpu.dma_semaphore, #tpu.memory_space<semaphore_mem>>)
    %dma_start3A_82 = arith.constant 0 : i32
    %dma_start3A_83 = arith.constant 128 : i32
    %dma_start3A_84 = tpu.memref_slice %arg10[%dma_start3A_82, %dma_start3A_83] : memref<64x384xf32, #tpu.memory_space<vmem>> -> memref<64x128xf32, #tpu.memory_space<vmem>>
    %dma_start3A_85 = arith.constant 192 : i32
    %dma_start3A_86 = tpu.memref_slice %arg6[%dma_start3A_85] : memref<7168xi32, #tpu.memory_space<vmem>> -> memref<64xi32, #tpu.memory_space<vmem>>
    %dma_start3A_87 = arith.constant 0 : i32
    %dma_start3A_88 = arith.constant 128 : i32
    %dma_start3A_89 = tpu.memref_slice %arg3[%dma_start3A_87, %dma_start3A_88] : memref<100000x300xf32, #tpu.memory_space<hbm>> -> memref<100000x128xf32, #tpu.memory_space<hbm>>
    tpu.enqueue_indirect_dma source(%dma_start3A_89 : memref<100000x128xf32, #tpu.memory_space<hbm>>) target(%dma_start3A_84 : memref<64x128xf32, #tpu.memory_space<vmem>>) offsets(%dma_start3A_86 : memref<64xi32, #tpu.memory_space<vmem>>) semaphore(%arg14 : memref<!tpu.dma_semaphore, #tpu.memory_space<semaphore_mem>>)
    %dma_start3A_90 = arith.constant 0 : i32
    %dma_start3A_91 = arith.constant 256 : i32
    %dma_start3A_92 = tpu.memref_slice %arg10[%dma_start3A_90, %dma_start3A_91] : memref<64x384xf32, #tpu.memory_space<vmem>> -> memref<64x128xf32, #tpu.memory_space<vmem>>
    %dma_start3A_93 = arith.constant 192 : i32
    %dma_start3A_94 = tpu.memref_slice %arg6[%dma_start3A_93] : memref<7168xi32, #tpu.memory_space<vmem>> -> memref<64xi32, #tpu.memory_space<vmem>>
    %dma_start3A_95 = arith.constant 0 : i32
    %dma_start3A_96 = arith.constant 0 : i32
    %dma_start3A_97 = tpu.memref_slice %arg4[%dma_start3A_95, %dma_start3A_96] : memref<100000x128xf32, #tpu.memory_space<hbm>> -> memref<100000x128xf32, #tpu.memory_space<hbm>>
    tpu.enqueue_indirect_dma source(%dma_start3A_97 : memref<100000x128xf32, #tpu.memory_space<hbm>>) target(%dma_start3A_92 : memref<64x128xf32, #tpu.memory_space<vmem>>) offsets(%dma_start3A_94 : memref<64xi32, #tpu.memory_space<vmem>>) semaphore(%arg14 : memref<!tpu.dma_semaphore, #tpu.memory_space<semaphore_mem>>)
    %scan3A = arith.constant 0 : i32
    %scan3A_98 = arith.constant 28 : i32
    %scan3A_99 = arith.addi %scan3A, %scan3A_98 : i32
    %scan3A_100 = arith.constant 1 : i32
    scf.for %scan3A_125 = %scan3A to %scan3A_99 step %scan3A_100  : i32 {
      %mul3A_126 = arith.constant 4 : i32
      %mul3A_127 = arith.muli %scan3A_125, %mul3A_126 : i32
      %add3A_128 = arith.constant 0 : i32
      %add3A_129 = arith.addi %add3A_128, %mul3A_127 : i32
      %dma_wait3A_130 = arith.constant 0 : i32
      %dma_wait3A_131 = arith.constant 0 : i32
      %dma_wait3A_132 = tpu.memref_slice %arg5[%dma_wait3A_130, %dma_wait3A_131] : memref<229376x384xf32, #tpu.memory_space<hbm>> -> memref<64x384xf32, #tpu.memory_space<hbm>>
      %dma_wait3A_133 = arith.constant 0 : i32
      %dma_wait3A_134 = arith.constant 0 : i32
      %dma_wait3A_135 = tpu.memref_slice %arg5[%dma_wait3A_133, %dma_wait3A_134] : memref<229376x384xf32, #tpu.memory_space<hbm>> -> memref<64x384xf32, #tpu.memory_space<hbm>>
      tpu.wait_dma2 semaphore(%arg11 : memref<!tpu.dma_semaphore, #tpu.memory_space<semaphore_mem>>) src(%dma_wait3A_135 : memref<64x384xf32, #tpu.memory_space<hbm>>) dst(%arg7 : memref<64x384xf32, #tpu.memory_space<vmem>>)
      %add3A_136 = arith.constant 0 : i32
      %add3A_137 = arith.addi %add3A_129, %add3A_136 : i32
      %mul3A_138 = arith.constant 64 : i32
      %mul3A_139 = arith.muli %add3A_137, %mul3A_138 : i32
      %add3A_140 = arith.addi %mul3A_2, %mul3A_139 : i32
      %dma_start3A_141 = arith.constant 0 : i32
      %dma_start3A_142 = tpu.memref_slice %arg5[%add3A_140, %dma_start3A_141] : memref<229376x384xf32, #tpu.memory_space<hbm>> -> memref<64x384xf32, #tpu.memory_space<hbm>>
      %dma_start3A_143 = arith.constant 0 : i32
      %dma_start3A_144 = tpu.memref_slice %arg5[%add3A_140, %dma_start3A_143] : memref<229376x384xf32, #tpu.memory_space<hbm>> -> memref<64x384xf32, #tpu.memory_space<hbm>>
      tpu.enqueue_dma source(%arg7 : memref<64x384xf32, #tpu.memory_space<vmem>>) target(%dma_start3A_144 : memref<64x384xf32, #tpu.memory_space<hbm>>) target_semaphore(%arg15 : memref<!tpu.dma_semaphore, #tpu.memory_space<semaphore_mem>>)
      %dma_wait3A_145 = arith.constant 0 : i32
      %dma_wait3A_146 = arith.constant 0 : i32
      %dma_wait3A_147 = tpu.memref_slice %arg5[%dma_wait3A_145, %dma_wait3A_146] : memref<229376x384xf32, #tpu.memory_space<hbm>> -> memref<64x384xf32, #tpu.memory_space<hbm>>
      %dma_wait3A_148 = arith.constant 0 : i32
      %dma_wait3A_149 = arith.constant 0 : i32
      %dma_wait3A_150 = tpu.memref_slice %arg5[%dma_wait3A_148, %dma_wait3A_149] : memref<229376x384xf32, #tpu.memory_space<hbm>> -> memref<64x384xf32, #tpu.memory_space<hbm>>
      tpu.wait_dma2 semaphore(%arg12 : memref<!tpu.dma_semaphore, #tpu.memory_space<semaphore_mem>>) src(%dma_wait3A_150 : memref<64x384xf32, #tpu.memory_space<hbm>>) dst(%arg8 : memref<64x384xf32, #tpu.memory_space<vmem>>)
      %add3A_151 = arith.constant 1 : i32
      %add3A_152 = arith.addi %add3A_129, %add3A_151 : i32
      %mul3A_153 = arith.constant 64 : i32
      %mul3A_154 = arith.muli %add3A_152, %mul3A_153 : i32
      %add3A_155 = arith.addi %mul3A_2, %mul3A_154 : i32
      %dma_start3A_156 = arith.constant 0 : i32
      %dma_start3A_157 = tpu.memref_slice %arg5[%add3A_155, %dma_start3A_156] : memref<229376x384xf32, #tpu.memory_space<hbm>> -> memref<64x384xf32, #tpu.memory_space<hbm>>
      %dma_start3A_158 = arith.constant 0 : i32
      %dma_start3A_159 = tpu.memref_slice %arg5[%add3A_155, %dma_start3A_158] : memref<229376x384xf32, #tpu.memory_space<hbm>> -> memref<64x384xf32, #tpu.memory_space<hbm>>
      tpu.enqueue_dma source(%arg8 : memref<64x384xf32, #tpu.memory_space<vmem>>) target(%dma_start3A_159 : memref<64x384xf32, #tpu.memory_space<hbm>>) target_semaphore(%arg16 : memref<!tpu.dma_semaphore, #tpu.memory_space<semaphore_mem>>)
      %dma_wait3A_160 = arith.constant 0 : i32
      %dma_wait3A_161 = arith.constant 0 : i32
      %dma_wait3A_162 = tpu.memref_slice %arg5[%dma_wait3A_160, %dma_wait3A_161] : memref<229376x384xf32, #tpu.memory_space<hbm>> -> memref<64x384xf32, #tpu.memory_space<hbm>>
      %dma_wait3A_163 = arith.constant 0 : i32
      %dma_wait3A_164 = arith.constant 0 : i32
      %dma_wait3A_165 = tpu.memref_slice %arg5[%dma_wait3A_163, %dma_wait3A_164] : memref<229376x384xf32, #tpu.memory_space<hbm>> -> memref<64x384xf32, #tpu.memory_space<hbm>>
      tpu.wait_dma2 semaphore(%arg13 : memref<!tpu.dma_semaphore, #tpu.memory_space<semaphore_mem>>) src(%dma_wait3A_165 : memref<64x384xf32, #tpu.memory_space<hbm>>) dst(%arg9 : memref<64x384xf32, #tpu.memory_space<vmem>>)
      %add3A_166 = arith.constant 2 : i32
      %add3A_167 = arith.addi %add3A_129, %add3A_166 : i32
      %mul3A_168 = arith.constant 64 : i32
      %mul3A_169 = arith.muli %add3A_167, %mul3A_168 : i32
      %add3A_170 = arith.addi %mul3A_2, %mul3A_169 : i32
      %dma_start3A_171 = arith.constant 0 : i32
      %dma_start3A_172 = tpu.memref_slice %arg5[%add3A_170, %dma_start3A_171] : memref<229376x384xf32, #tpu.memory_space<hbm>> -> memref<64x384xf32, #tpu.memory_space<hbm>>
      %dma_start3A_173 = arith.constant 0 : i32
      %dma_start3A_174 = tpu.memref_slice %arg5[%add3A_170, %dma_start3A_173] : memref<229376x384xf32, #tpu.memory_space<hbm>> -> memref<64x384xf32, #tpu.memory_space<hbm>>
      tpu.enqueue_dma source(%arg9 : memref<64x384xf32, #tpu.memory_space<vmem>>) target(%dma_start3A_174 : memref<64x384xf32, #tpu.memory_space<hbm>>) target_semaphore(%arg17 : memref<!tpu.dma_semaphore, #tpu.memory_space<semaphore_mem>>)
      %dma_wait3A_175 = arith.constant 0 : i32
      %dma_wait3A_176 = arith.constant 0 : i32
      %dma_wait3A_177 = tpu.memref_slice %arg5[%dma_wait3A_175, %dma_wait3A_176] : memref<229376x384xf32, #tpu.memory_space<hbm>> -> memref<64x384xf32, #tpu.memory_space<hbm>>
      %dma_wait3A_178 = arith.constant 0 : i32
      %dma_wait3A_179 = arith.constant 0 : i32
      %dma_wait3A_180 = tpu.memref_slice %arg5[%dma_wait3A_178, %dma_wait3A_179] : memref<229376x384xf32, #tpu.memory_space<hbm>> -> memref<64x384xf32, #tpu.memory_space<hbm>>
      tpu.wait_dma2 semaphore(%arg14 : memref<!tpu.dma_semaphore, #tpu.memory_space<semaphore_mem>>) src(%dma_wait3A_180 : memref<64x384xf32, #tpu.memory_space<hbm>>) dst(%arg10 : memref<64x384xf32, #tpu.memory_space<vmem>>)
      %add3A_181 = arith.constant 3 : i32
      %add3A_182 = arith.addi %add3A_129, %add3A_181 : i32
      %mul3A_183 = arith.constant 64 : i32
      %mul3A_184 = arith.muli %add3A_182, %mul3A_183 : i32
      %add3A_185 = arith.addi %mul3A_2, %mul3A_184 : i32
      %dma_start3A_186 = arith.constant 0 : i32
      %dma_start3A_187 = tpu.memref_slice %arg5[%add3A_185, %dma_start3A_186] : memref<229376x384xf32, #tpu.memory_space<hbm>> -> memref<64x384xf32, #tpu.memory_space<hbm>>
      %dma_start3A_188 = arith.constant 0 : i32
      %dma_start3A_189 = tpu.memref_slice %arg5[%add3A_185, %dma_start3A_188] : memref<229376x384xf32, #tpu.memory_space<hbm>> -> memref<64x384xf32, #tpu.memory_space<hbm>>
      tpu.enqueue_dma source(%arg10 : memref<64x384xf32, #tpu.memory_space<vmem>>) target(%dma_start3A_189 : memref<64x384xf32, #tpu.memory_space<hbm>>) target_semaphore(%arg18 : memref<!tpu.dma_semaphore, #tpu.memory_space<semaphore_mem>>)
      %add3A_190 = arith.constant 0 : i32
      %add3A_191 = arith.addi %add3A_129, %add3A_190 : i32
      %add3A_192 = arith.constant 4 : i32
      %add3A_193 = arith.addi %add3A_191, %add3A_192 : i32
      %lt3A = arith.constant 112 : i32
      %lt3A_194 = arith.cmpi slt, %add3A_193, %lt3A : i32
      %convert_element_type3A = arith.extui %lt3A_194 : i1 to i32
      %cond3A = arith.constant 0 : i32
      %cond3A_195 = arith.cmpi ne, %convert_element_type3A, %cond3A : i32
      scf.if %cond3A_195 {
        %dma_wait3A_223 = arith.constant 0 : i32
        %dma_wait3A_224 = arith.constant 0 : i32
        %dma_wait3A_225 = tpu.memref_slice %arg5[%dma_wait3A_223, %dma_wait3A_224] : memref<229376x384xf32, #tpu.memory_space<hbm>> -> memref<64x384xf32, #tpu.memory_space<hbm>>
        %dma_wait3A_226 = arith.constant 0 : i32
        %dma_wait3A_227 = arith.constant 0 : i32
        %dma_wait3A_228 = tpu.memref_slice %arg5[%dma_wait3A_226, %dma_wait3A_227] : memref<229376x384xf32, #tpu.memory_space<hbm>> -> memref<64x384xf32, #tpu.memory_space<hbm>>
        tpu.wait_dma2 semaphore(%arg15 : memref<!tpu.dma_semaphore, #tpu.memory_space<semaphore_mem>>) src(%arg7 : memref<64x384xf32, #tpu.memory_space<vmem>>) dst(%dma_wait3A_228 : memref<64x384xf32, #tpu.memory_space<hbm>>)
        %add3A_229 = arith.constant 0 : i32
        %add3A_230 = arith.addi %add3A_129, %add3A_229 : i32
        %add3A_231 = arith.constant 4 : i32
        %add3A_232 = arith.addi %add3A_230, %add3A_231 : i32
        %mul3A_233 = arith.constant 64 : i32
        %mul3A_234 = arith.muli %add3A_232, %mul3A_233 : i32
        %dma_start3A_235 = arith.constant 0 : i32
        %dma_start3A_236 = arith.constant 0 : i32
        %dma_start3A_237 = tpu.memref_slice %arg7[%dma_start3A_235, %dma_start3A_236] : memref<64x384xf32, #tpu.memory_space<vmem>> -> memref<64x128xf32, #tpu.memory_space<vmem>>
        %dma_start3A_238 = tpu.memref_slice %arg6[%mul3A_234] : memref<7168xi32, #tpu.memory_space<vmem>> -> memref<64xi32, #tpu.memory_space<vmem>>
        %dma_start3A_239 = arith.constant 0 : i32
        %dma_start3A_240 = arith.constant 0 : i32
        %dma_start3A_241 = tpu.memref_slice %arg3[%dma_start3A_239, %dma_start3A_240] : memref<100000x300xf32, #tpu.memory_space<hbm>> -> memref<100000x128xf32, #tpu.memory_space<hbm>>
        tpu.enqueue_indirect_dma source(%dma_start3A_241 : memref<100000x128xf32, #tpu.memory_space<hbm>>) target(%dma_start3A_237 : memref<64x128xf32, #tpu.memory_space<vmem>>) offsets(%dma_start3A_238 : memref<64xi32, #tpu.memory_space<vmem>>) semaphore(%arg11 : memref<!tpu.dma_semaphore, #tpu.memory_space<semaphore_mem>>)
        %dma_start3A_242 = arith.constant 0 : i32
        %dma_start3A_243 = arith.constant 128 : i32
        %dma_start3A_244 = tpu.memref_slice %arg7[%dma_start3A_242, %dma_start3A_243] : memref<64x384xf32, #tpu.memory_space<vmem>> -> memref<64x128xf32, #tpu.memory_space<vmem>>
        %dma_start3A_245 = tpu.memref_slice %arg6[%mul3A_234] : memref<7168xi32, #tpu.memory_space<vmem>> -> memref<64xi32, #tpu.memory_space<vmem>>
        %dma_start3A_246 = arith.constant 0 : i32
        %dma_start3A_247 = arith.constant 128 : i32
        %dma_start3A_248 = tpu.memref_slice %arg3[%dma_start3A_246, %dma_start3A_247] : memref<100000x300xf32, #tpu.memory_space<hbm>> -> memref<100000x128xf32, #tpu.memory_space<hbm>>
        tpu.enqueue_indirect_dma source(%dma_start3A_248 : memref<100000x128xf32, #tpu.memory_space<hbm>>) target(%dma_start3A_244 : memref<64x128xf32, #tpu.memory_space<vmem>>) offsets(%dma_start3A_245 : memref<64xi32, #tpu.memory_space<vmem>>) semaphore(%arg11 : memref<!tpu.dma_semaphore, #tpu.memory_space<semaphore_mem>>)
        %dma_start3A_249 = arith.constant 0 : i32
        %dma_start3A_250 = arith.constant 256 : i32
        %dma_start3A_251 = tpu.memref_slice %arg7[%dma_start3A_249, %dma_start3A_250] : memref<64x384xf32, #tpu.memory_space<vmem>> -> memref<64x128xf32, #tpu.memory_space<vmem>>
        %dma_start3A_252 = tpu.memref_slice %arg6[%mul3A_234] : memref<7168xi32, #tpu.memory_space<vmem>> -> memref<64xi32, #tpu.memory_space<vmem>>
        %dma_start3A_253 = arith.constant 0 : i32
        %dma_start3A_254 = arith.constant 0 : i32
        %dma_start3A_255 = tpu.memref_slice %arg4[%dma_start3A_253, %dma_start3A_254] : memref<100000x128xf32, #tpu.memory_space<hbm>> -> memref<100000x128xf32, #tpu.memory_space<hbm>>
        tpu.enqueue_indirect_dma source(%dma_start3A_255 : memref<100000x128xf32, #tpu.memory_space<hbm>>) target(%dma_start3A_251 : memref<64x128xf32, #tpu.memory_space<vmem>>) offsets(%dma_start3A_252 : memref<64xi32, #tpu.memory_space<vmem>>) semaphore(%arg11 : memref<!tpu.dma_semaphore, #tpu.memory_space<semaphore_mem>>)
      } else {
      }
      %add3A_196 = arith.constant 1 : i32
      %add3A_197 = arith.addi %add3A_129, %add3A_196 : i32
      %add3A_198 = arith.constant 4 : i32
      %add3A_199 = arith.addi %add3A_197, %add3A_198 : i32
      %lt3A_200 = arith.constant 112 : i32
      %lt3A_201 = arith.cmpi slt, %add3A_199, %lt3A_200 : i32
      %convert_element_type3A_202 = arith.extui %lt3A_201 : i1 to i32
      %cond3A_203 = arith.constant 0 : i32
      %cond3A_204 = arith.cmpi ne, %convert_element_type3A_202, %cond3A_203 : i32
      scf.if %cond3A_204 {
        %dma_wait3A_223 = arith.constant 0 : i32
        %dma_wait3A_224 = arith.constant 0 : i32
        %dma_wait3A_225 = tpu.memref_slice %arg5[%dma_wait3A_223, %dma_wait3A_224] : memref<229376x384xf32, #tpu.memory_space<hbm>> -> memref<64x384xf32, #tpu.memory_space<hbm>>
        %dma_wait3A_226 = arith.constant 0 : i32
        %dma_wait3A_227 = arith.constant 0 : i32
        %dma_wait3A_228 = tpu.memref_slice %arg5[%dma_wait3A_226, %dma_wait3A_227] : memref<229376x384xf32, #tpu.memory_space<hbm>> -> memref<64x384xf32, #tpu.memory_space<hbm>>
        tpu.wait_dma2 semaphore(%arg16 : memref<!tpu.dma_semaphore, #tpu.memory_space<semaphore_mem>>) src(%arg8 : memref<64x384xf32, #tpu.memory_space<vmem>>) dst(%dma_wait3A_228 : memref<64x384xf32, #tpu.memory_space<hbm>>)
        %add3A_229 = arith.constant 1 : i32
        %add3A_230 = arith.addi %add3A_129, %add3A_229 : i32
        %add3A_231 = arith.constant 4 : i32
        %add3A_232 = arith.addi %add3A_230, %add3A_231 : i32
        %mul3A_233 = arith.constant 64 : i32
        %mul3A_234 = arith.muli %add3A_232, %mul3A_233 : i32
        %dma_start3A_235 = arith.constant 0 : i32
        %dma_start3A_236 = arith.constant 0 : i32
        %dma_start3A_237 = tpu.memref_slice %arg8[%dma_start3A_235, %dma_start3A_236] : memref<64x384xf32, #tpu.memory_space<vmem>> -> memref<64x128xf32, #tpu.memory_space<vmem>>
        %dma_start3A_238 = tpu.memref_slice %arg6[%mul3A_234] : memref<7168xi32, #tpu.memory_space<vmem>> -> memref<64xi32, #tpu.memory_space<vmem>>
        %dma_start3A_239 = arith.constant 0 : i32
        %dma_start3A_240 = arith.constant 0 : i32
        %dma_start3A_241 = tpu.memref_slice %arg3[%dma_start3A_239, %dma_start3A_240] : memref<100000x300xf32, #tpu.memory_space<hbm>> -> memref<100000x128xf32, #tpu.memory_space<hbm>>
        tpu.enqueue_indirect_dma source(%dma_start3A_241 : memref<100000x128xf32, #tpu.memory_space<hbm>>) target(%dma_start3A_237 : memref<64x128xf32, #tpu.memory_space<vmem>>) offsets(%dma_start3A_238 : memref<64xi32, #tpu.memory_space<vmem>>) semaphore(%arg12 : memref<!tpu.dma_semaphore, #tpu.memory_space<semaphore_mem>>)
        %dma_start3A_242 = arith.constant 0 : i32
        %dma_start3A_243 = arith.constant 128 : i32
        %dma_start3A_244 = tpu.memref_slice %arg8[%dma_start3A_242, %dma_start3A_243] : memref<64x384xf32, #tpu.memory_space<vmem>> -> memref<64x128xf32, #tpu.memory_space<vmem>>
        %dma_start3A_245 = tpu.memref_slice %arg6[%mul3A_234] : memref<7168xi32, #tpu.memory_space<vmem>> -> memref<64xi32, #tpu.memory_space<vmem>>
        %dma_start3A_246 = arith.constant 0 : i32
        %dma_start3A_247 = arith.constant 128 : i32
        %dma_start3A_248 = tpu.memref_slice %arg3[%dma_start3A_246, %dma_start3A_247] : memref<100000x300xf32, #tpu.memory_space<hbm>> -> memref<100000x128xf32, #tpu.memory_space<hbm>>
        tpu.enqueue_indirect_dma source(%dma_start3A_248 : memref<100000x128xf32, #tpu.memory_space<hbm>>) target(%dma_start3A_244 : memref<64x128xf32, #tpu.memory_space<vmem>>) offsets(%dma_start3A_245 : memref<64xi32, #tpu.memory_space<vmem>>) semaphore(%arg12 : memref<!tpu.dma_semaphore, #tpu.memory_space<semaphore_mem>>)
        %dma_start3A_249 = arith.constant 0 : i32
        %dma_start3A_250 = arith.constant 256 : i32
        %dma_start3A_251 = tpu.memref_slice %arg8[%dma_start3A_249, %dma_start3A_250] : memref<64x384xf32, #tpu.memory_space<vmem>> -> memref<64x128xf32, #tpu.memory_space<vmem>>
        %dma_start3A_252 = tpu.memref_slice %arg6[%mul3A_234] : memref<7168xi32, #tpu.memory_space<vmem>> -> memref<64xi32, #tpu.memory_space<vmem>>
        %dma_start3A_253 = arith.constant 0 : i32
        %dma_start3A_254 = arith.constant 0 : i32
        %dma_start3A_255 = tpu.memref_slice %arg4[%dma_start3A_253, %dma_start3A_254] : memref<100000x128xf32, #tpu.memory_space<hbm>> -> memref<100000x128xf32, #tpu.memory_space<hbm>>
        tpu.enqueue_indirect_dma source(%dma_start3A_255 : memref<100000x128xf32, #tpu.memory_space<hbm>>) target(%dma_start3A_251 : memref<64x128xf32, #tpu.memory_space<vmem>>) offsets(%dma_start3A_252 : memref<64xi32, #tpu.memory_space<vmem>>) semaphore(%arg12 : memref<!tpu.dma_semaphore, #tpu.memory_space<semaphore_mem>>)
      } else {
      }
      %add3A_205 = arith.constant 2 : i32
      %add3A_206 = arith.addi %add3A_129, %add3A_205 : i32
      %add3A_207 = arith.constant 4 : i32
      %add3A_208 = arith.addi %add3A_206, %add3A_207 : i32
      %lt3A_209 = arith.constant 112 : i32
      %lt3A_210 = arith.cmpi slt, %add3A_208, %lt3A_209 : i32
      %convert_element_type3A_211 = arith.extui %lt3A_210 : i1 to i32
      %cond3A_212 = arith.constant 0 : i32
      %cond3A_213 = arith.cmpi ne, %convert_element_type3A_211, %cond3A_212 : i32
      scf.if %cond3A_213 {
        %dma_wait3A_223 = arith.constant 0 : i32
        %dma_wait3A_224 = arith.constant 0 : i32
        %dma_wait3A_225 = tpu.memref_slice %arg5[%dma_wait3A_223, %dma_wait3A_224] : memref<229376x384xf32, #tpu.memory_space<hbm>> -> memref<64x384xf32, #tpu.memory_space<hbm>>
        %dma_wait3A_226 = arith.constant 0 : i32
        %dma_wait3A_227 = arith.constant 0 : i32
        %dma_wait3A_228 = tpu.memref_slice %arg5[%dma_wait3A_226, %dma_wait3A_227] : memref<229376x384xf32, #tpu.memory_space<hbm>> -> memref<64x384xf32, #tpu.memory_space<hbm>>
        tpu.wait_dma2 semaphore(%arg17 : memref<!tpu.dma_semaphore, #tpu.memory_space<semaphore_mem>>) src(%arg9 : memref<64x384xf32, #tpu.memory_space<vmem>>) dst(%dma_wait3A_228 : memref<64x384xf32, #tpu.memory_space<hbm>>)
        %add3A_229 = arith.constant 2 : i32
        %add3A_230 = arith.addi %add3A_129, %add3A_229 : i32
        %add3A_231 = arith.constant 4 : i32
        %add3A_232 = arith.addi %add3A_230, %add3A_231 : i32
        %mul3A_233 = arith.constant 64 : i32
        %mul3A_234 = arith.muli %add3A_232, %mul3A_233 : i32
        %dma_start3A_235 = arith.constant 0 : i32
        %dma_start3A_236 = arith.constant 0 : i32
        %dma_start3A_237 = tpu.memref_slice %arg9[%dma_start3A_235, %dma_start3A_236] : memref<64x384xf32, #tpu.memory_space<vmem>> -> memref<64x128xf32, #tpu.memory_space<vmem>>
        %dma_start3A_238 = tpu.memref_slice %arg6[%mul3A_234] : memref<7168xi32, #tpu.memory_space<vmem>> -> memref<64xi32, #tpu.memory_space<vmem>>
        %dma_start3A_239 = arith.constant 0 : i32
        %dma_start3A_240 = arith.constant 0 : i32
        %dma_start3A_241 = tpu.memref_slice %arg3[%dma_start3A_239, %dma_start3A_240] : memref<100000x300xf32, #tpu.memory_space<hbm>> -> memref<100000x128xf32, #tpu.memory_space<hbm>>
        tpu.enqueue_indirect_dma source(%dma_start3A_241 : memref<100000x128xf32, #tpu.memory_space<hbm>>) target(%dma_start3A_237 : memref<64x128xf32, #tpu.memory_space<vmem>>) offsets(%dma_start3A_238 : memref<64xi32, #tpu.memory_space<vmem>>) semaphore(%arg13 : memref<!tpu.dma_semaphore, #tpu.memory_space<semaphore_mem>>)
        %dma_start3A_242 = arith.constant 0 : i32
        %dma_start3A_243 = arith.constant 128 : i32
        %dma_start3A_244 = tpu.memref_slice %arg9[%dma_start3A_242, %dma_start3A_243] : memref<64x384xf32, #tpu.memory_space<vmem>> -> memref<64x128xf32, #tpu.memory_space<vmem>>
        %dma_start3A_245 = tpu.memref_slice %arg6[%mul3A_234] : memref<7168xi32, #tpu.memory_space<vmem>> -> memref<64xi32, #tpu.memory_space<vmem>>
        %dma_start3A_246 = arith.constant 0 : i32
        %dma_start3A_247 = arith.constant 128 : i32
        %dma_start3A_248 = tpu.memref_slice %arg3[%dma_start3A_246, %dma_start3A_247] : memref<100000x300xf32, #tpu.memory_space<hbm>> -> memref<100000x128xf32, #tpu.memory_space<hbm>>
        tpu.enqueue_indirect_dma source(%dma_start3A_248 : memref<100000x128xf32, #tpu.memory_space<hbm>>) target(%dma_start3A_244 : memref<64x128xf32, #tpu.memory_space<vmem>>) offsets(%dma_start3A_245 : memref<64xi32, #tpu.memory_space<vmem>>) semaphore(%arg13 : memref<!tpu.dma_semaphore, #tpu.memory_space<semaphore_mem>>)
        %dma_start3A_249 = arith.constant 0 : i32
        %dma_start3A_250 = arith.constant 256 : i32
        %dma_start3A_251 = tpu.memref_slice %arg9[%dma_start3A_249, %dma_start3A_250] : memref<64x384xf32, #tpu.memory_space<vmem>> -> memref<64x128xf32, #tpu.memory_space<vmem>>
        %dma_start3A_252 = tpu.memref_slice %arg6[%mul3A_234] : memref<7168xi32, #tpu.memory_space<vmem>> -> memref<64xi32, #tpu.memory_space<vmem>>
        %dma_start3A_253 = arith.constant 0 : i32
        %dma_start3A_254 = arith.constant 0 : i32
        %dma_start3A_255 = tpu.memref_slice %arg4[%dma_start3A_253, %dma_start3A_254] : memref<100000x128xf32, #tpu.memory_space<hbm>> -> memref<100000x128xf32, #tpu.memory_space<hbm>>
        tpu.enqueue_indirect_dma source(%dma_start3A_255 : memref<100000x128xf32, #tpu.memory_space<hbm>>) target(%dma_start3A_251 : memref<64x128xf32, #tpu.memory_space<vmem>>) offsets(%dma_start3A_252 : memref<64xi32, #tpu.memory_space<vmem>>) semaphore(%arg13 : memref<!tpu.dma_semaphore, #tpu.memory_space<semaphore_mem>>)
      } else {
      }
      %add3A_214 = arith.constant 3 : i32
      %add3A_215 = arith.addi %add3A_129, %add3A_214 : i32
      %add3A_216 = arith.constant 4 : i32
      %add3A_217 = arith.addi %add3A_215, %add3A_216 : i32
      %lt3A_218 = arith.constant 112 : i32
      %lt3A_219 = arith.cmpi slt, %add3A_217, %lt3A_218 : i32
      %convert_element_type3A_220 = arith.extui %lt3A_219 : i1 to i32
      %cond3A_221 = arith.constant 0 : i32
      %cond3A_222 = arith.cmpi ne, %convert_element_type3A_220, %cond3A_221 : i32
      scf.if %cond3A_222 {
        %dma_wait3A_223 = arith.constant 0 : i32
        %dma_wait3A_224 = arith.constant 0 : i32
        %dma_wait3A_225 = tpu.memref_slice %arg5[%dma_wait3A_223, %dma_wait3A_224] : memref<229376x384xf32, #tpu.memory_space<hbm>> -> memref<64x384xf32, #tpu.memory_space<hbm>>
        %dma_wait3A_226 = arith.constant 0 : i32
        %dma_wait3A_227 = arith.constant 0 : i32
        %dma_wait3A_228 = tpu.memref_slice %arg5[%dma_wait3A_226, %dma_wait3A_227] : memref<229376x384xf32, #tpu.memory_space<hbm>> -> memref<64x384xf32, #tpu.memory_space<hbm>>
        tpu.wait_dma2 semaphore(%arg18 : memref<!tpu.dma_semaphore, #tpu.memory_space<semaphore_mem>>) src(%arg10 : memref<64x384xf32, #tpu.memory_space<vmem>>) dst(%dma_wait3A_228 : memref<64x384xf32, #tpu.memory_space<hbm>>)
        %add3A_229 = arith.constant 3 : i32
        %add3A_230 = arith.addi %add3A_129, %add3A_229 : i32
        %add3A_231 = arith.constant 4 : i32
        %add3A_232 = arith.addi %add3A_230, %add3A_231 : i32
        %mul3A_233 = arith.constant 64 : i32
        %mul3A_234 = arith.muli %add3A_232, %mul3A_233 : i32
        %dma_start3A_235 = arith.constant 0 : i32
        %dma_start3A_236 = arith.constant 0 : i32
        %dma_start3A_237 = tpu.memref_slice %arg10[%dma_start3A_235, %dma_start3A_236] : memref<64x384xf32, #tpu.memory_space<vmem>> -> memref<64x128xf32, #tpu.memory_space<vmem>>
        %dma_start3A_238 = tpu.memref_slice %arg6[%mul3A_234] : memref<7168xi32, #tpu.memory_space<vmem>> -> memref<64xi32, #tpu.memory_space<vmem>>
        %dma_start3A_239 = arith.constant 0 : i32
        %dma_start3A_240 = arith.constant 0 : i32
        %dma_start3A_241 = tpu.memref_slice %arg3[%dma_start3A_239, %dma_start3A_240] : memref<100000x300xf32, #tpu.memory_space<hbm>> -> memref<100000x128xf32, #tpu.memory_space<hbm>>
        tpu.enqueue_indirect_dma source(%dma_start3A_241 : memref<100000x128xf32, #tpu.memory_space<hbm>>) target(%dma_start3A_237 : memref<64x128xf32, #tpu.memory_space<vmem>>) offsets(%dma_start3A_238 : memref<64xi32, #tpu.memory_space<vmem>>) semaphore(%arg14 : memref<!tpu.dma_semaphore, #tpu.memory_space<semaphore_mem>>)
        %dma_start3A_242 = arith.constant 0 : i32
        %dma_start3A_243 = arith.constant 128 : i32
        %dma_start3A_244 = tpu.memref_slice %arg10[%dma_start3A_242, %dma_start3A_243] : memref<64x384xf32, #tpu.memory_space<vmem>> -> memref<64x128xf32, #tpu.memory_space<vmem>>
        %dma_start3A_245 = tpu.memref_slice %arg6[%mul3A_234] : memref<7168xi32, #tpu.memory_space<vmem>> -> memref<64xi32, #tpu.memory_space<vmem>>
        %dma_start3A_246 = arith.constant 0 : i32
        %dma_start3A_247 = arith.constant 128 : i32
        %dma_start3A_248 = tpu.memref_slice %arg3[%dma_start3A_246, %dma_start3A_247] : memref<100000x300xf32, #tpu.memory_space<hbm>> -> memref<100000x128xf32, #tpu.memory_space<hbm>>
        tpu.enqueue_indirect_dma source(%dma_start3A_248 : memref<100000x128xf32, #tpu.memory_space<hbm>>) target(%dma_start3A_244 : memref<64x128xf32, #tpu.memory_space<vmem>>) offsets(%dma_start3A_245 : memref<64xi32, #tpu.memory_space<vmem>>) semaphore(%arg14 : memref<!tpu.dma_semaphore, #tpu.memory_space<semaphore_mem>>)
        %dma_start3A_249 = arith.constant 0 : i32
        %dma_start3A_250 = arith.constant 256 : i32
        %dma_start3A_251 = tpu.memref_slice %arg10[%dma_start3A_249, %dma_start3A_250] : memref<64x384xf32, #tpu.memory_space<vmem>> -> memref<64x128xf32, #tpu.memory_space<vmem>>
        %dma_start3A_252 = tpu.memref_slice %arg6[%mul3A_234] : memref<7168xi32, #tpu.memory_space<vmem>> -> memref<64xi32, #tpu.memory_space<vmem>>
        %dma_start3A_253 = arith.constant 0 : i32
        %dma_start3A_254 = arith.constant 0 : i32
        %dma_start3A_255 = tpu.memref_slice %arg4[%dma_start3A_253, %dma_start3A_254] : memref<100000x128xf32, #tpu.memory_space<hbm>> -> memref<100000x128xf32, #tpu.memory_space<hbm>>
        tpu.enqueue_indirect_dma source(%dma_start3A_255 : memref<100000x128xf32, #tpu.memory_space<hbm>>) target(%dma_start3A_251 : memref<64x128xf32, #tpu.memory_space<vmem>>) offsets(%dma_start3A_252 : memref<64xi32, #tpu.memory_space<vmem>>) semaphore(%arg14 : memref<!tpu.dma_semaphore, #tpu.memory_space<semaphore_mem>>)
      } else {
      }
    }
    %scan3A_101 = arith.constant 28 : i32
    %dma_wait3A = arith.constant 0 : i32
    %dma_wait3A_102 = arith.constant 0 : i32
    %dma_wait3A_103 = tpu.memref_slice %arg5[%dma_wait3A, %dma_wait3A_102] : memref<229376x384xf32, #tpu.memory_space<hbm>> -> memref<64x384xf32, #tpu.memory_space<hbm>>
    %dma_wait3A_104 = arith.constant 0 : i32
    %dma_wait3A_105 = arith.constant 0 : i32
    %dma_wait3A_106 = tpu.memref_slice %arg5[%dma_wait3A_104, %dma_wait3A_105] : memref<229376x384xf32, #tpu.memory_space<hbm>> -> memref<64x384xf32, #tpu.memory_space<hbm>>
    tpu.wait_dma2 semaphore(%arg15 : memref<!tpu.dma_semaphore, #tpu.memory_space<semaphore_mem>>) src(%arg7 : memref<64x384xf32, #tpu.memory_space<vmem>>) dst(%dma_wait3A_106 : memref<64x384xf32, #tpu.memory_space<hbm>>)
    %dma_wait3A_107 = arith.constant 0 : i32
    %dma_wait3A_108 = arith.constant 0 : i32
    %dma_wait3A_109 = tpu.memref_slice %arg5[%dma_wait3A_107, %dma_wait3A_108] : memref<229376x384xf32, #tpu.memory_space<hbm>> -> memref<64x384xf32, #tpu.memory_space<hbm>>
    %dma_wait3A_110 = arith.constant 0 : i32
    %dma_wait3A_111 = arith.constant 0 : i32
    %dma_wait3A_112 = tpu.memref_slice %arg5[%dma_wait3A_110, %dma_wait3A_111] : memref<229376x384xf32, #tpu.memory_space<hbm>> -> memref<64x384xf32, #tpu.memory_space<hbm>>
    tpu.wait_dma2 semaphore(%arg16 : memref<!tpu.dma_semaphore, #tpu.memory_space<semaphore_mem>>) src(%arg8 : memref<64x384xf32, #tpu.memory_space<vmem>>) dst(%dma_wait3A_112 : memref<64x384xf32, #tpu.memory_space<hbm>>)
    %dma_wait3A_113 = arith.constant 0 : i32
    %dma_wait3A_114 = arith.constant 0 : i32
    %dma_wait3A_115 = tpu.memref_slice %arg5[%dma_wait3A_113, %dma_wait3A_114] : memref<229376x384xf32, #tpu.memory_space<hbm>> -> memref<64x384xf32, #tpu.memory_space<hbm>>
    %dma_wait3A_116 = arith.constant 0 : i32
    %dma_wait3A_117 = arith.constant 0 : i32
    %dma_wait3A_118 = tpu.memref_slice %arg5[%dma_wait3A_116, %dma_wait3A_117] : memref<229376x384xf32, #tpu.memory_space<hbm>> -> memref<64x384xf32, #tpu.memory_space<hbm>>
    tpu.wait_dma2 semaphore(%arg17 : memref<!tpu.dma_semaphore, #tpu.memory_space<semaphore_mem>>) src(%arg9 : memref<64x384xf32, #tpu.memory_space<vmem>>) dst(%dma_wait3A_118 : memref<64x384xf32, #tpu.memory_space<hbm>>)
    %dma_wait3A_119 = arith.constant 0 : i32
    %dma_wait3A_120 = arith.constant 0 : i32
    %dma_wait3A_121 = tpu.memref_slice %arg5[%dma_wait3A_119, %dma_wait3A_120] : memref<229376x384xf32, #tpu.memory_space<hbm>> -> memref<64x384xf32, #tpu.memory_space<hbm>>
    %dma_wait3A_122 = arith.constant 0 : i32
    %dma_wait3A_123 = arith.constant 0 : i32
    %dma_wait3A_124 = tpu.memref_slice %arg5[%dma_wait3A_122, %dma_wait3A_123] : memref<229376x384xf32, #tpu.memory_space<hbm>> -> memref<64x384xf32, #tpu.memory_space<hbm>>
    tpu.wait_dma2 semaphore(%arg18 : memref<!tpu.dma_semaphore, #tpu.memory_space<semaphore_mem>>) src(%arg10 : memref<64x384xf32, #tpu.memory_space<vmem>>) dst(%dma_wait3A_124 : memref<64x384xf32, #tpu.memory_space<hbm>>)
    return
  }
}

</mosaic_0001>

<sc_bundles>
// kernel: kernel.3.cloned.1.call-start
scs
__scs_entry_jumppad:
0x0: {  	(pc) =	sbr.rel $0x88, $3  }
0x1: {  	(tag) =	ssettag $0x0;
	lr =	simm.s32 $0x1  }
0x2: {  	[smem:$0x3F9F] =	sst lr;
	_ =	strace $0xD0000000  }
0x3: {  	_ = 	snop  }
0x4: {  	_ = 	snop  }
0x5: {  	_ = 	snop  }
0x6: {  	_ = 	snop  }
0x7: {  	_ = 	snop  }
__scs_overlays_trampoline_lowered:
0x8: {  	[smem:$0x3FAE] =	sst s0  }
0x9: {  	[smem:$0x3FAF] =	sst s1  }
0xa: {  	[smem:$0x3FB0] =	sst s2  }
0xb: {  	[smem:$0x3FB1] =	sst s3  }
0xc: {  	[smem:$0x3FB2] =	sst s4  }
0xd: {  	[smem:$0x3FB3] =	sst s5  }
0xe: {  	[smem:$0x3FB4] =	sst s6  }
0xf: {  	[smem:$0x3FB5] =	sst s7  }
0x10: {  	[smem:$0x3FB6] =	sst s8  }
0x11: {  	[smem:$0x3FB7] =	sst s9;
	s0 =	simm.s32 @!p0 $0x0  }
0x12: {  	s1 =	sld [smem:$0x3F9D];
	s0 =	simm.s32 @p0 $0x1  }
0x13: {  	[smem:$0x3FB8] =	sst s0;
	s0 =	simm.s32 @!p1 $0x0  }
0x14: {  	s2 =	sld [smem:$0x3F9C];
	s0 =	simm.s32 @p1 $0x1  }
0x15: {  	[smem:$0x3FB9] =	sst s0;
	s0 =	simm.s32 @!p2 $0x0  }
0x16: {  	s3 =	sld [smem:$0x3FDB];
	s0 =	simm.s32 @p2 $0x1  }
0x17: {  	s4 =	simm.s32 $0x1BF5;
	[smem:$0x3FBB] =	sst s0  }
0x18: {  	s0 =	sld [smem:$0x3F9E];
	_ =	swait.ge [sflag:s4], $0x0  }
0x19: {  	s7 =	sld [smem:$0x3F9F]  }
0x1a: {  	s8 =	sadd.s32 $0xFFFFE003, lr  }
0x1b: {  	s9 =	sadd.s32 $0xFFFFFEF7, lr;
	s5 =	simm.s32 $0xFFFFFFFF;
	p2 =	slt.u32 s8, $0xFFFFF086  }
0x1c: {  	p1 =	slt.u32 s9, $0xF7A;
	s5 =	simm.s32 @!p2 $0x0  }
0x1d: {  	s5 =	simm.s32 @p1 $0x1;
	p0 =	seq.s32 s7, s2  }
0x1e: {  	s7 =	smul.u32 @!p0 $0xF7A, s2;
	p2 =	seq.s32 @!p0 s5, $0x0  }
0x1f: {  	s9 =	smul.u32 $0xF7A, s1;
	s8 =	simm.s32 @!p0 $0x1BF5;
	p2 =	por !p2, p0  }
0x20: {  	[sflag:s8] =	ssyncset.s32 @!p0 $0xFFFFF086;
	s6 =	sadd.s32 @!p0 s3, s7;
	s7 =	simm.s32 @!p0 $0x108  }
0x21: {  	s3 =	sadd.s32 s3, s9;
	s6 =	sadd.s32 @!p0 $0x88, s6;
	s7 =	simm.s32 @p2 $0x1082  }
0x22: {  	[simem:s7], [sflag:s8] =	dma.local @!p0 [hbm:s6], $0xF7A  }
0x23: {  	s9 =	sor.u32 $0xD0000000, s2;
	s6 =	simm.s32 $0x108;
	_ =	swait.ge @!p0 [sflag:s8], $0x0  }
0x24: {  	s3 =	sadd.s32 $0x88, s3;
	s6 =	simm.s32 @!p1 $0x1082;
	[sflag:s4] =	ssyncset.s32 $0xFFFFF086  }
0x25: {  	[simem:s6], [sflag:s4] =	dma.local [hbm:s3], $0xF7A  }
0x26: {  	[smem:$0x3F9F] =	sst s1;
	(tag) =	ssettag s2;
	_ =	strace s9  }
0x27: {  	s1 =	sld [smem:$0x3FAF]  }
0x28: {  	s2 =	sld [smem:$0x3FB0]  }
0x29: {  	s4 =	sld [smem:$0x3FB2]  }
0x2a: {  	p0 =	seq.s32 s5, $0x0;
	s5 =	sld [smem:$0x3FB3]  }
0x2b: {  	s6 =	sld [smem:$0x3FB4]  }
0x2c: {  	s7 =	sld [smem:$0x3FB5]  }
0x2d: {  	s3 =	simm.s32 $0x108;
	s8 =	sld [smem:$0x3FB6]  }
0x2e: {  	s3 =	simm.s32 @!p0 $0x1082;
	s9 =	sld [smem:$0x3FB7]  }
0x2f: {  	lr =	sadd.s32 s0, s3;
	s0 =	sld [smem:$0x3FAE]  }
0x30: {  	s3 =	sld [smem:$0x3FB1]  }
0x31: {  	[smem:$0x3FBA] =	sst s10  }
0x32: {  	s10 =	sld [smem:$0x3FB8];
	_ =	sdelay $0x3  }
0x33: {  	p0 =	seq.s32 s10, $0x1;
	s10 =	sld [smem:$0x3FBA];
	_ =	sdelay $0x3  }
0x34: {  	[smem:$0x3FBA] =	sst s10  }
0x35: {  	s10 =	sld [smem:$0x3FB9];
	_ =	sdelay $0x3  }
0x36: {  	p1 =	seq.s32 s10, $0x1;
	s10 =	sld [smem:$0x3FBA];
	_ =	sdelay $0x3  }
0x37: {  	[smem:$0x3FBA] =	sst s10  }
0x38: {  	s10 =	sld [smem:$0x3FBB]  }
0x39: {  	_ = 	snop;
	(pc) =	sbr.ind lr, $3  }
0x3a: {  	_ = 	snop  }
0x3b: {  	_ = 	snop  }
0x3c: {  	p2 =	seq.s32 s10, $0x1;
	s10 =	sld [smem:$0x3FBA]  }
0x3d: {  	_ =	shalt  }
0x3e: {  	_ =	shalt  }
0x3f: {  	_ =	shalt  }
0x40: {  	_ =	shalt  }
0x41: {  	_ =	shalt  }
0x42: {  	_ =	shalt  }
0x43: {  	_ =	shalt  }
0x44: {  	_ =	shalt  }
0x45: {  	_ =	shalt  }
0x46: {  	_ =	shalt  }
0x47: {  	_ =	shalt  }
0x48: {  	_ =	shalt  }
0x49: {  	_ =	shalt  }
0x4a: {  	_ =	shalt  }
0x4b: {  	_ =	shalt  }
0x4c: {  	_ =	shalt  }
0x4d: {  	_ =	shalt  }
0x4e: {  	_ =	shalt  }
0x4f: {  	_ =	shalt  }
0x50: {  	_ =	shalt  }
0x51: {  	_ =	shalt  }
0x52: {  	_ =	shalt  }
0x53: {  	_ =	shalt  }
0x54: {  	_ =	shalt  }
0x55: {  	_ =	shalt  }
0x56: {  	_ =	shalt  }
0x57: {  	_ =	shalt  }
0x58: {  	_ =	shalt  }
0x59: {  	_ =	shalt  }
0x5a: {  	_ =	shalt  }
0x5b: {  	_ =	shalt  }
0x5c: {  	_ =	shalt  }
0x5d: {  	_ =	shalt  }
0x5e: {  	_ =	shalt  }
0x5f: {  	_ =	shalt  }
0x60: {  	_ =	shalt  }
0x61: {  	_ =	shalt  }
0x62: {  	_ =	shalt  }
0x63: {  	_ =	shalt  }
0x64: {  	_ =	shalt  }
0x65: {  	_ =	shalt  }
0x66: {  	_ =	shalt  }
0x67: {  	_ =	shalt  }
0x68: {  	_ =	shalt  }
0x69: {  	_ =	shalt  }
0x6a: {  	_ =	shalt  }
0x6b: {  	_ =	shalt  }
0x6c: {  	_ =	shalt  }
0x6d: {  	_ =	shalt  }
0x6e: {  	_ =	shalt  }
0x6f: {  	_ =	shalt  }
0x70: {  	_ =	shalt  }
0x71: {  	_ =	shalt  }
0x72: {  	_ =	shalt  }
0x73: {  	_ =	shalt  }
0x74: {  	_ =	shalt  }
0x75: {  	_ =	shalt  }
0x76: {  	_ =	shalt  }
0x77: {  	_ =	shalt  }
0x78: {  	_ =	shalt  }
0x79: {  	_ =	shalt  }
0x7a: {  	_ =	shalt  }
0x7b: {  	_ =	shalt  }
0x7c: {  	_ =	shalt  }
0x7d: {  	_ =	shalt  }
0x7e: {  	_ =	shalt  }
0x7f: {  	_ =	shalt  }
0x80: {  	_ =	shalt  }
0x81: {  	_ =	shalt  }
0x82: {  	_ =	shalt  }
0x83: {  	_ =	shalt  }
0x84: {  	_ =	shalt  }
0x85: {  	_ =	shalt  }
0x86: {  	_ =	shalt  }
0x87: {  	_ =	shalt  }
.Lfunc_end0:
.L_simem_size_0:
called_computation.1_lowered:
.L_overlay_start_0:
0x88: {  	s2 =	sld [smem:$0x3FD9]  }
0x89: {  	s3 =	sld [smem:$0x3FFE];
	_ =	sdelay $0x1  }
0x8a: {  	s1 =	srdreg.scid  }
0x8b: {  	s0 =	sand.u32 $0x1, s1  }
0x8c: {  	s17 =	sshll.u32 s0, $0xA;
	s2 =	sadd.s32 s3, s2  }
0x8d: {  	s2 =	sadd.s32 s2, s17  }
0x8e: {  	[smem:$0x3FC6] =	sst s2  }
0x8f: {  	_ = 	snop  }
0x90: {  	s2 =	sld [smem:$0x3FD0];
	(tm) =	ssettm $0x1  }
0x91: {  	s18 =	sld [smem:$0x3FFB];
	_ =	sdelay $0x3  }
0x92: {  	_ =	strace s18  }
0x93: {  	s3 =	sld [smem:$0x3FFC];
	_ =	sdelay $0x3  }
0x94: {  	_ =	strace s3  }
0x95: {  	s3 =	sld [smem:$0x3FFD];
	_ =	sdelay $0x3  }
0x96: {  	_ =	strace s3  }
0x97: {  	_ =	strace $0x8FFFFFFF  }
0x98: {  	s19 =	sld [smem:$0x3FDB];
	_ =	sdelay $0x1  }
0x99: {  	s4 =	simm.s32 $_scs_section_size  }
0x9a: {  	s5 =	simm.s32 $_size__tile_overlayer_lowered;
	s6 =	simm.s32 $_tile_overlayer_lowered  }
0x9b: {  	s22 =	simm.s32 $0x1BFF;
	s21 =	sshll.u32 s6, $0x1;
	s3 =	sadd.s32 s4, s19  }
0x9c: {  	s7 =	simm.s32 $0x0;
	s20 =	sshll.u32 s5, $0x1;
	s5 =	sadd.s32 s21, s3  }
0x9d: {  	[timem:s7], [sflag:s22] =	dma.local [hbm:s5], s20  }
0x9e: {  	_ =	swait.ge [sflag:s22], s20  }
0x9f: {  	s4 =	ssub.s32 $0x0, s20;
	[sflag:s22] =	ssyncset.done $0x0  }
0xa0: {  	[sflag:s22] =	ssyncadd.s32 s4;
	_ =	sdelay $0x1  }
0xa1: {  	s23 =	simm.s32 $0x1B8B  }
0xa2: {  	_ =	swait.ge [sflag:s23], $0x1  }
0xa3: {  	[sflag:s23] =	ssyncset.done $0x0  }
0xa4: {  	s25 =	simm.s32 $0x1B8E;
	s24 =	sld [smem:$0x3FFE];
	[sflag:s23] =	ssyncadd.s32 $0xFFFFFFFF  }
0xa5: {  	s26 =	simm.s32 $execute0_lowered;
	[smem:$0x3FD2] =	sst s25  }
0xa6: {  	s5 =	sshll.u32 s26, $0x1;
	_ =	strace $0x80000046;
	[dreg:$0x1] =	wrdreg $0xFFFFFFFF  }
0xa7: {  	s28 =	simm.s32 $_size_execute0_lowered;
	s3 =	sadd.s32 s3, s5;
	[dreg:$0x0] =	wrdreg $0x0  }
0xa8: {  	s5 =	sshll.u32 s28, $0x1;
	[dreg:$0x2] =	wrdreg s3  }
0xa9: {  	[dreg:$0x3] =	wrdreg s5  }
0xaa: {  	[dreg:$0x4] =	wrdreg $0xC0  }
0xab: {  	_ =	task [dreg:s7], $0x5FFFF  }
0xac: {  	[dreg:$0x1] =	wrdreg $0xFFFFFFFF  }
0xad: {  	[dreg:$0x0] =	wrdreg $0x60  }
0xae: {  	[dreg:$0x2] =	wrdreg s24  }
0xaf: {  	[dreg:$0x3] =	wrdreg s2  }
0xb0: {  	[dreg:$0x4] =	wrdreg $0x9  }
0xb1: {  	_ =	task.clear_ibuf [dreg:s7], $0x5FFFF;
	_ =	strace $0x90000046  }
0xb2: {  	s29 =	simm.s32 $0x9;
	_ =	strace $0x80000048  }
0xb3: {  	_ =	swait.ge [sflag:s29], $0x1  }
0xb4: {  	[sflag:s29] =	ssyncadd.s32 $0xFFFFFFFF  }
0xb5: {  	_ =	strace $0x90000048  }
0xb6: {  	_ =	sfence  }
0xb7: {  	s30 =	sld [smem:$0x0];
	_ =	sdelay $0x2  }
0xb8: {  	s31 =	sshll.u32 s1, $0xD;
	s1 =	sshrl.u32 s1, $0x2  }
0xb9: {  	s3 =	sand.u32 $0x4000, s31;
	s1 =	sadd.s32 s1, s30  }
0xba: {  	s0 =	sor.u32 s3, s0;
	s1 =	sshll.u32 s1, $0x11  }
0xbb: {  	s0 =	sor.u32 s1, s0  }
0xbc: {  	s0 =	sadd.s32 $0x8F2B, s0  }
0xbd: {  	[sflag:s0] =	ssyncadd.remote.s32 $0x1  }
0xbe: {  	_ =	sfence.sel $0xFFFF  }
0xbf: {  	[dreg:$0x0] =	wrdreg $0xFFFFFFFF;
	(pc) =	sbr.abs _section_cstart, $3  }
0xc0: {  	[dreg:$0x1] =	wrdreg $0xFFFFFFFF  }
0xc1: {  	_ =	task.clear_ibuf [dreg:s7], $0x2FFFF;
	_ =	strace $0x9FFFFFFF  }
0xc2: {  	(tm) =	ssettm $0x7FFFFFFF  }
0xc3: {  	_ =	shalt  }
tec
execute0_lowered:
.L_overlay_start_1:
0x0: {  	(tag) =	ssettag $0x1  }
0x1: {  	s0 =	srdreg.scid  }
0x2: {  	s4 =	stileid.u32;
	s5 =	rddreg [dreg:$0x0]  }
0x3: {  	s2 =	rddreg [dreg:$0x1];
	s3 =	simm.s32 $0x0;
	s13 =	simm.s32 $0x1C00  }
0x4: {  	s15 =	simm.s32 $0x7C00;
	s18 =	simm.s32 $0xDC00;
	s22 =	simm.s32 $0x13C00  }
0x5: {  	s17 =	simm.s32 $0x14400;
	s19 =	simm.s32 $0x15000;
	s20 =	simm.s32 $0x15C00  }
0x6: {  	s21 =	simm.s32 $0x16800;
	s28 =	simm.s32 $0x1;
	s29 =	simm.s32 $0x2  }
0x7: {  	s30 =	simm.s32 $0x3;
	s31 =	simm.s32 $0x4;
	s14 =	simm.s32 $0x0  }
0x8: {  	s0 =	sand.u32 $0x1, s0;
	s1 =	sshll.u32 s4, $0x1;
	s6 =	smul.u32 $0x3800, s4  }
0x9: {  	[smem:$0x7FF] =	sst s3;
	s4 =	sadd.s32 $0x18E200, s5;
	s7 =	smul.u32 $0x1C00, s0  }
0xa: {  	s1 =	sor.u32 s0, s1;
	_ =	strace $0x80000047;
	s0 =	ssub.s32 $0x2, s0  }
0xb: {  	s1 =	smul.u32 $0x1C00, s1;
	s23 =	sshrl.u32 s0, $0x1;
	s6 =	sadd.s32 s7, s6  }
0xc: {  	s0 =	ssub.s32 s0, s23;
	s23 =	simm.s32 $0x17400;
	s7 =	simm.s32 $0x8  }
0xd: {  	s1 =	sshrl.u32 s1, $0x3;
	s8 =	sshrl.u32 s6, $0x3;
	s9 =	sor.u32 $0x40, s6  }
0xe: {  	s10 =	sor.u32 $0x80, s6;
	s6 =	sor.u32 $0xC0, s6;
	s0 =	smax.u32 s0, $0x1  }
0xf: {  	s1 =	sadd.s32 s1, s5;
	s8 =	smul.u32 $0x180, s8;
	s9 =	sshrl.u32 s9, $0x3  }
0x10: {  	s5 =	sadd.s32 $0x314C00, s5;
	s10 =	sshrl.u32 s10, $0x3;
	s9 =	smul.u32 $0x180, s9  }
0x11: {  	s25 =	sshrl.u32 s6, $0x3;
	s6 =	sadd.s32 $0x80, s2;
	s24 =	smul.u32 $0x180, s10  }
.Ltmp0:
0x12: {  	[dreg:$0x4] =	wrdreg s0;
	s0 =	simm.s32 $0x6;
	(pc) =	sbr.rel .LBB2_1-.Ltmp0, $4  }
0x13: {  	s1 =	sadd.s32 $0x800, s1;
	s26 =	smul.u32 $0x180, s25;
	s25 =	simm.s32 $0x18C00  }
0x14: {  	v2 =	vlaneseq.u32;
	[dreg:$0x3] =	wrdreg s1;
	s8 =	sadd.s32 s8, s5;
	s1 =	simm.s32 $0x5  }
0x15: {  	vm0 =	vmmov $0xff;
	v1 =	vshrl.u32 v2, $0x3;
	s9 =	sadd.s32 s9, s5;
	s10 =	sadd.s32 s24, s5;
	s11 =	sadd.s32 s26, s5  }
0x16: {  	v0 =	vand.u32 $0x7, v2;
	v2 =	vor.u32 $0x8, v2;
	v1 =	vmul.u32 $0x8, v1;
	s24 =	simm.s32 $0x18000;
	s26 =	simm.s32 $0x19800;
	s5 =	simm.s32 $0x7  }
.LBB2_4:
0x17: {  	_ =	swait.ge [sflag:s1], $0x6000  }
0x18: {  	[sflag:s1] =	ssyncset.done $0x0  }
0x19: {  	[sflag:s1] =	ssyncadd.s32 $0xFFFFA000  }
0x1a: {  	_ =	swait.ge [sflag:s0], $0x6000  }
0x1b: {  	[sflag:s0] =	ssyncset.done $0x0  }
0x1c: {  	[sflag:s0] =	ssyncadd.s32 $0xFFFFA000  }
0x1d: {  	_ =	swait.ge [sflag:s5], $0x6000  }
0x1e: {  	[sflag:s5] =	ssyncset.done $0x0  }
0x1f: {  	[sflag:s5] =	ssyncadd.s32 $0xFFFFA000  }
0x20: {  	_ =	swait.ge [sflag:s7], $0x6000  }
0x21: {  	s14 =	rddreg [dreg:$0x5]  }
0x22: {  	s12 =	rddreg [dreg:$0x4];
	s14 =	sadd.s32 $0x1, s14  }
0x23: {  	p0 =	sne.s32 s14, s12  }
.Ltmp1:
0x24: {  	_ = 	snop;
	(pc) =	sbr.rel @!p0 .LBB2_5-.Ltmp1, $3  }
0x25: {  	_ =	sdelay $0x1  }
0x26: {  	[sflag:s7] =	ssyncset.done $0x0  }
0x27: {  	[sflag:s7] =	ssyncadd.s32 $0xFFFFA000  }
.LBB2_1:
0x28: {  	[dreg:$0x5] =	wrdreg s14  }
0x29: {  	s12 =	rddreg [dreg:$0x3];
	s16 =	simm.s32 $0x9  }
0x2a: {  	[tilespmem:s3], [sflag:$0x9] =	stream.linear.gather [hbm4b:s12+s3], $0x1C00, $0x38;
	[tilespmem:$0x19C00] =	vst v63  }
0x2b: {  	_ =	swait.ge [sflag:s16], $0x1C00  }
0x2c: {  	[sflag:s16] =	ssyncset.done $0x0  }
0x2d: {  	[sflag:s16] =	ssyncadd.s32 $0xFFFFE400  }
0x2e: {  	v3 =	vld [tilespmem:$0x0];
	_ =	sdelay $0x4  }
0x2f: {  	v4 =	vshrl.u32 v3, $0x3  }
0x30: {  	v4 =	vmul.u32 $0x18, v4  }
0x31: {  	v3 =	vand.u32 $0x7, v3  }
0x32: {  	v3 =	vor.u32 v3, v4  }
0x33: {  	v4 =	vperm.xlane v3, v0;
	_ =	sdelay $0x1  }
0x34: {  	v3 =	vperm.xlane v3, v2;
	v4 =	vadd.s32 v1, v4;
	_ =	sdelay $0x1  }
0x35: {  	v3 =	vadd.s32 v1, v3;
	_ =	sdelay $0x2  }
0x36: {  	[tilespmem:s13], [sflag:$0x1] =	stream.indirect_vreg.gather [hbm4b:s2+s3], $0x80, v4, vm0, $0xb8;
	[tilespmem:$0x19C00] =	vst v63  }
0x37: {  	s14 =	simm.s32 $0x2800  }
0x38: {  	[tilespmem:s14], [sflag:$0x1] =	stream.indirect_vreg.gather [hbm4b:s2+s3], $0x80, v3, vm0, $0xb8;
	[tilespmem:$0x19C00] =	vst v63  }
0x39: {  	v3 =	vld [tilespmem:$0x10];
	_ =	sdelay $0x4  }
0x3a: {  	v17 =	vshrl.u32 v3, $0x3  }
0x3b: {  	v4 =	vmul.u32 $0x18, v17  }
0x3c: {  	v3 =	vand.u32 $0x7, v3  }
0x3d: {  	v3 =	vor.u32 v3, v4  }
0x3e: {  	v4 =	vperm.xlane v3, v0;
	_ =	sdelay $0x1  }
0x3f: {  	v3 =	vperm.xlane v3, v2;
	v4 =	vadd.s32 v1, v4;
	_ =	sdelay $0x1  }
0x40: {  	v3 =	vadd.s32 v1, v3;
	_ =	sdelay $0x1  }
0x41: {  	s16 =	simm.s32 $0x3400  }
0x42: {  	[tilespmem:s16], [sflag:$0x1] =	stream.indirect_vreg.gather [hbm4b:s2+s3], $0x80, v4, vm0, $0xb8;
	[tilespmem:$0x19C00] =	vst v63  }
0x43: {  	s14 =	simm.s32 $0x4000  }
0x44: {  	[tilespmem:s14], [sflag:$0x1] =	stream.indirect_vreg.gather [hbm4b:s2+s3], $0x80, v3, vm0, $0xb8;
	[tilespmem:$0x19C00] =	vst v63  }
0x45: {  	v3 =	vld [tilespmem:$0x20];
	_ =	sdelay $0x4  }
0x46: {  	v18 =	vshrl.u32 v3, $0x3  }
0x47: {  	v4 =	vmul.u32 $0x18, v18  }
0x48: {  	v3 =	vand.u32 $0x7, v3  }
0x49: {  	v3 =	vor.u32 v3, v4  }
0x4a: {  	v4 =	vperm.xlane v3, v0;
	_ =	sdelay $0x1  }
0x4b: {  	v3 =	vperm.xlane v3, v2;
	v4 =	vadd.s32 v1, v4;
	_ =	sdelay $0x1  }
0x4c: {  	v3 =	vadd.s32 v1, v3;
	_ =	sdelay $0x1  }
0x4d: {  	s16 =	simm.s32 $0x4C00  }
0x4e: {  	[tilespmem:s16], [sflag:$0x1] =	stream.indirect_vreg.gather [hbm4b:s2+s3], $0x80, v4, vm0, $0xb8;
	[tilespmem:$0x19C00] =	vst v63  }
0x4f: {  	s14 =	simm.s32 $0x5800  }
0x50: {  	[tilespmem:s14], [sflag:$0x1] =	stream.indirect_vreg.gather [hbm4b:s2+s3], $0x80, v3, vm0, $0xb8;
	[tilespmem:$0x19C00] =	vst v63  }
0x51: {  	v3 =	vld [tilespmem:$0x30];
	_ =	sdelay $0x4  }
0x52: {  	v19 =	vshrl.u32 v3, $0x3  }
0x53: {  	v4 =	vmul.u32 $0x18, v19  }
0x54: {  	v3 =	vand.u32 $0x7, v3  }
0x55: {  	v3 =	vor.u32 v3, v4  }
0x56: {  	v4 =	vperm.xlane v3, v0;
	_ =	sdelay $0x1  }
0x57: {  	v3 =	vperm.xlane v3, v2;
	v4 =	vadd.s32 v1, v4;
	_ =	sdelay $0x1  }
0x58: {  	v3 =	vadd.s32 v1, v3;
	_ =	sdelay $0x1  }
0x59: {  	s16 =	simm.s32 $0x6400  }
0x5a: {  	[tilespmem:s16], [sflag:$0x1] =	stream.indirect_vreg.gather [hbm4b:s2+s3], $0x80, v4, vm0, $0xb8;
	[tilespmem:$0x19C00] =	vst v63  }
0x5b: {  	s14 =	simm.s32 $0x7000  }
0x5c: {  	[tilespmem:s14], [sflag:$0x1] =	stream.indirect_vreg.gather [hbm4b:s2+s3], $0x80, v3, vm0, $0xb8;
	[tilespmem:$0x19C00] =	vst v63  }
0x5d: {  	v3 =	vld [tilespmem:$0x0];
	_ =	sdelay $0x4  }
0x5e: {  	v20 =	vshrl.u32 v3, $0x3  }
0x5f: {  	v4 =	vmul.u32 $0x18, v20  }
0x60: {  	v3 =	vand.u32 $0x7, v3  }
0x61: {  	v3 =	vor.u32 v3, v4  }
0x62: {  	v4 =	vperm.xlane v3, v0;
	_ =	sdelay $0x1  }
0x63: {  	v3 =	vperm.xlane v3, v2;
	v4 =	vadd.s32 v1, v4;
	_ =	sdelay $0x1  }
0x64: {  	v3 =	vadd.s32 v1, v3;
	_ =	sdelay $0x1  }
0x65: {  	s16 =	simm.s32 $0x2000  }
0x66: {  	[tilespmem:s16], [sflag:$0x1] =	stream.indirect_vreg.gather [hbm4b:s6+s3], $0x80, v4, vm0, $0xb8;
	[tilespmem:$0x19C00] =	vst v63  }
0x67: {  	s14 =	simm.s32 $0x2C00  }
0x68: {  	[tilespmem:s14], [sflag:$0x1] =	stream.indirect_vreg.gather [hbm4b:s6+s3], $0x80, v3, vm0, $0xb8;
	[tilespmem:$0x19C00] =	vst v63  }
0x69: {  	v3 =	vld [tilespmem:$0x10];
	_ =	sdelay $0x4  }
0x6a: {  	v21 =	vshrl.u32 v3, $0x3  }
0x6b: {  	v4 =	vmul.u32 $0x18, v21  }
0x6c: {  	v3 =	vand.u32 $0x7, v3  }
0x6d: {  	v3 =	vor.u32 v3, v4  }
0x6e: {  	v4 =	vperm.xlane v3, v0;
	_ =	sdelay $0x1  }
0x6f: {  	v3 =	vperm.xlane v3, v2;
	v4 =	vadd.s32 v1, v4;
	_ =	sdelay $0x1  }
0x70: {  	v3 =	vadd.s32 v1, v3;
	_ =	sdelay $0x1  }
0x71: {  	s16 =	simm.s32 $0x3800  }
0x72: {  	[tilespmem:s16], [sflag:$0x1] =	stream.indirect_vreg.gather [hbm4b:s6+s3], $0x80, v4, vm0, $0xb8;
	[tilespmem:$0x19C00] =	vst v63  }
0x73: {  	s14 =	simm.s32 $0x4400  }
0x74: {  	[tilespmem:s14], [sflag:$0x1] =	stream.indirect_vreg.gather [hbm4b:s6+s3], $0x80, v3, vm0, $0xb8;
	[tilespmem:$0x19C00] =	vst v63  }
0x75: {  	v3 =	vld [tilespmem:$0x20];
	_ =	sdelay $0x4  }
0x76: {  	v22 =	vshrl.u32 v3, $0x3  }
0x77: {  	v4 =	vmul.u32 $0x18, v22  }
0x78: {  	v3 =	vand.u32 $0x7, v3  }
0x79: {  	v3 =	vor.u32 v3, v4  }
0x7a: {  	v4 =	vperm.xlane v3, v0;
	_ =	sdelay $0x1  }
0x7b: {  	v3 =	vperm.xlane v3, v2;
	v4 =	vadd.s32 v1, v4;
	_ =	sdelay $0x1  }
0x7c: {  	v3 =	vadd.s32 v1, v3;
	_ =	sdelay $0x1  }
0x7d: {  	s16 =	simm.s32 $0x5000  }
0x7e: {  	[tilespmem:s16], [sflag:$0x1] =	stream.indirect_vreg.gather [hbm4b:s6+s3], $0x80, v4, vm0, $0xb8;
	[tilespmem:$0x19C00] =	vst v63  }
0x7f: {  	s14 =	simm.s32 $0x5C00  }
0x80: {  	[tilespmem:s14], [sflag:$0x1] =	stream.indirect_vreg.gather [hbm4b:s6+s3], $0x80, v3, vm0, $0xb8;
	[tilespmem:$0x19C00] =	vst v63  }
0x81: {  	v3 =	vld [tilespmem:$0x30];
	_ =	sdelay $0x4  }
0x82: {  	v23 =	vshrl.u32 v3, $0x3  }
0x83: {  	v4 =	vmul.u32 $0x18, v23  }
0x84: {  	v3 =	vand.u32 $0x7, v3  }
0x85: {  	v3 =	vor.u32 v3, v4  }
0x86: {  	v4 =	vperm.xlane v3, v0;
	_ =	sdelay $0x1  }
0x87: {  	v3 =	vperm.xlane v3, v2;
	v4 =	vadd.s32 v1, v4;
	_ =	sdelay $0x1  }
0x88: {  	v3 =	vadd.s32 v1, v3;
	_ =	sdelay $0x1  }
0x89: {  	s16 =	simm.s32 $0x6800  }
0x8a: {  	[tilespmem:s16], [sflag:$0x1] =	stream.indirect_vreg.gather [hbm4b:s6+s3], $0x80, v4, vm0, $0xb8;
	[tilespmem:$0x19C00] =	vst v63  }
0x8b: {  	s14 =	simm.s32 $0x7400  }
0x8c: {  	[tilespmem:s14], [sflag:$0x1] =	stream.indirect_vreg.gather [hbm4b:s6+s3], $0x80, v3, vm0, $0xb8;
	[tilespmem:$0x19C00] =	vst v63  }
0x8d: {  	v3 =	vld [tilespmem:$0x0];
	_ =	sdelay $0x4  }
0x8e: {  	v24 =	vperm.xlane v3, v0;
	_ =	sdelay $0x1  }
0x8f: {  	v3 =	vperm.xlane v3, v2;
	v4 =	vadd.s32 v1, v24;
	_ =	sdelay $0x1  }
0x90: {  	v3 =	vadd.s32 v1, v3;
	_ =	sdelay $0x1  }
0x91: {  	s16 =	simm.s32 $0x2400  }
0x92: {  	[tilespmem:s16], [sflag:$0x1] =	stream.indirect_vreg.gather [hbm4b:s4+s3], $0x80, v4, vm0, $0xb8;
	[tilespmem:$0x19C00] =	vst v63  }
0x93: {  	s14 =	simm.s32 $0x3000  }
0x94: {  	[tilespmem:s14], [sflag:$0x1] =	stream.indirect_vreg.gather [hbm4b:s4+s3], $0x80, v3, vm0, $0xb8;
	[tilespmem:$0x19C00] =	vst v63  }
0x95: {  	v3 =	vld [tilespmem:$0x10];
	_ =	sdelay $0x4  }
0x96: {  	v25 =	vperm.xlane v3, v0;
	_ =	sdelay $0x1  }
0x97: {  	v3 =	vperm.xlane v3, v2;
	v4 =	vadd.s32 v1, v25;
	_ =	sdelay $0x1  }
0x98: {  	v3 =	vadd.s32 v1, v3;
	_ =	sdelay $0x1  }
0x99: {  	s16 =	simm.s32 $0x3C00  }
0x9a: {  	[tilespmem:s16], [sflag:$0x1] =	stream.indirect_vreg.gather [hbm4b:s4+s3], $0x80, v4, vm0, $0xb8;
	[tilespmem:$0x19C00] =	vst v63  }
0x9b: {  	s14 =	simm.s32 $0x4800  }
0x9c: {  	[tilespmem:s14], [sflag:$0x1] =	stream.indirect_vreg.gather [hbm4b:s4+s3], $0x80, v3, vm0, $0xb8;
	[tilespmem:$0x19C00] =	vst v63  }
0x9d: {  	v3 =	vld [tilespmem:$0x20];
	_ =	sdelay $0x4  }
0x9e: {  	v26 =	vperm.xlane v3, v0;
	_ =	sdelay $0x1  }
0x9f: {  	v3 =	vperm.xlane v3, v2;
	v4 =	vadd.s32 v1, v26;
	_ =	sdelay $0x1  }
0xa0: {  	v3 =	vadd.s32 v1, v3;
	_ =	sdelay $0x1  }
0xa1: {  	s16 =	simm.s32 $0x5400  }
0xa2: {  	[tilespmem:s16], [sflag:$0x1] =	stream.indirect_vreg.gather [hbm4b:s4+s3], $0x80, v4, vm0, $0xb8;
	[tilespmem:$0x19C00] =	vst v63  }
0xa3: {  	s14 =	simm.s32 $0x6000  }
0xa4: {  	[tilespmem:s14], [sflag:$0x1] =	stream.indirect_vreg.gather [hbm4b:s4+s3], $0x80, v3, vm0, $0xb8;
	[tilespmem:$0x19C00] =	vst v63  }
0xa5: {  	v3 =	vld [tilespmem:$0x30];
	_ =	sdelay $0x4  }
0xa6: {  	v27 =	vperm.xlane v3, v0;
	_ =	sdelay $0x1  }
0xa7: {  	v3 =	vperm.xlane v3, v2;
	v4 =	vadd.s32 v1, v27;
	_ =	sdelay $0x1  }
0xa8: {  	v3 =	vadd.s32 v1, v3;
	_ =	sdelay $0x1  }
0xa9: {  	s16 =	simm.s32 $0x6C00  }
0xaa: {  	[tilespmem:s16], [sflag:$0x1] =	stream.indirect_vreg.gather [hbm4b:s4+s3], $0x80, v4, vm0, $0xb8;
	[tilespmem:$0x19C00] =	vst v63  }
0xab: {  	s14 =	simm.s32 $0x7800  }
0xac: {  	[tilespmem:s14], [sflag:$0x1] =	stream.indirect_vreg.gather [hbm4b:s4+s3], $0x80, v3, vm0, $0xb8;
	[tilespmem:$0x19C00] =	vst v63  }
0xad: {  	v3 =	vld [tilespmem:$0x40];
	_ =	sdelay $0x4  }
0xae: {  	v28 =	vshrl.u32 v3, $0x3  }
0xaf: {  	v4 =	vmul.u32 $0x18, v28  }
0xb0: {  	v3 =	vand.u32 $0x7, v3  }
0xb1: {  	v3 =	vor.u32 v3, v4  }
0xb2: {  	v4 =	vperm.xlane v3, v0;
	_ =	sdelay $0x1  }
0xb3: {  	v3 =	vperm.xlane v3, v2;
	v4 =	vadd.s32 v1, v4;
	_ =	sdelay $0x1  }
0xb4: {  	v3 =	vadd.s32 v1, v3;
	_ =	sdelay $0x2  }
0xb5: {  	[tilespmem:s15], [sflag:$0x2] =	stream.indirect_vreg.gather [hbm4b:s2+s3], $0x80, v4, vm0, $0xb8;
	[tilespmem:$0x19C00] =	vst v63  }
0xb6: {  	s16 =	simm.s32 $0x8800  }
0xb7: {  	[tilespmem:s16], [sflag:$0x2] =	stream.indirect_vreg.gather [hbm4b:s2+s3], $0x80, v3, vm0, $0xb8;
	[tilespmem:$0x19C00] =	vst v63  }
0xb8: {  	v3 =	vld [tilespmem:$0x50];
	_ =	sdelay $0x4  }
0xb9: {  	v29 =	vshrl.u32 v3, $0x3  }
0xba: {  	v4 =	vmul.u32 $0x18, v29  }
0xbb: {  	v3 =	vand.u32 $0x7, v3  }
0xbc: {  	v3 =	vor.u32 v3, v4  }
0xbd: {  	v4 =	vperm.xlane v3, v0;
	_ =	sdelay $0x1  }
0xbe: {  	v3 =	vperm.xlane v3, v2;
	v4 =	vadd.s32 v1, v4;
	_ =	sdelay $0x1  }
0xbf: {  	v3 =	vadd.s32 v1, v3;
	_ =	sdelay $0x1  }
0xc0: {  	s14 =	simm.s32 $0x9400  }
0xc1: {  	[tilespmem:s14], [sflag:$0x2] =	stream.indirect_vreg.gather [hbm4b:s2+s3], $0x80, v4, vm0, $0xb8;
	[tilespmem:$0x19C00] =	vst v63  }
0xc2: {  	s16 =	simm.s32 $0xA000  }
0xc3: {  	[tilespmem:s16], [sflag:$0x2] =	stream.indirect_vreg.gather [hbm4b:s2+s3], $0x80, v3, vm0, $0xb8;
	[tilespmem:$0x19C00] =	vst v63  }
0xc4: {  	v3 =	vld [tilespmem:$0x60];
	_ =	sdelay $0x4  }
0xc5: {  	v30 =	vshrl.u32 v3, $0x3  }
0xc6: {  	v4 =	vmul.u32 $0x18, v30  }
0xc7: {  	v3 =	vand.u32 $0x7, v3  }
0xc8: {  	v3 =	vor.u32 v3, v4  }
0xc9: {  	v4 =	vperm.xlane v3, v0;
	_ =	sdelay $0x1  }
0xca: {  	v3 =	vperm.xlane v3, v2;
	v4 =	vadd.s32 v1, v4;
	_ =	sdelay $0x1  }
0xcb: {  	v3 =	vadd.s32 v1, v3;
	_ =	sdelay $0x1  }
0xcc: {  	s14 =	simm.s32 $0xAC00  }
0xcd: {  	[tilespmem:s14], [sflag:$0x2] =	stream.indirect_vreg.gather [hbm4b:s2+s3], $0x80, v4, vm0, $0xb8;
	[tilespmem:$0x19C00] =	vst v63  }
0xce: {  	s16 =	simm.s32 $0xB800  }
0xcf: {  	[tilespmem:s16], [sflag:$0x2] =	stream.indirect_vreg.gather [hbm4b:s2+s3], $0x80, v3, vm0, $0xb8;
	[tilespmem:$0x19C00] =	vst v63  }
0xd0: {  	v3 =	vld [tilespmem:$0x70];
	_ =	sdelay $0x4  }
0xd1: {  	v31 =	vshrl.u32 v3, $0x3  }
0xd2: {  	v4 =	vmul.u32 $0x18, v31  }
0xd3: {  	v3 =	vand.u32 $0x7, v3  }
0xd4: {  	v3 =	vor.u32 v3, v4  }
0xd5: {  	v4 =	vperm.xlane v3, v0;
	_ =	sdelay $0x1  }
0xd6: {  	v3 =	vperm.xlane v3, v2;
	v4 =	vadd.s32 v1, v4;
	_ =	sdelay $0x1  }
0xd7: {  	v3 =	vadd.s32 v1, v3;
	_ =	sdelay $0x1  }
0xd8: {  	s14 =	simm.s32 $0xC400  }
0xd9: {  	[tilespmem:s14], [sflag:$0x2] =	stream.indirect_vreg.gather [hbm4b:s2+s3], $0x80, v4, vm0, $0xb8;
	[tilespmem:$0x19C00] =	vst v63  }
0xda: {  	s16 =	simm.s32 $0xD000  }
0xdb: {  	[tilespmem:s16], [sflag:$0x2] =	stream.indirect_vreg.gather [hbm4b:s2+s3], $0x80, v3, vm0, $0xb8;
	[tilespmem:$0x19C00] =	vst v63  }
0xdc: {  	v3 =	vld [tilespmem:$0x40];
	_ =	sdelay $0x4  }
0xdd: {  	v32 =	vshrl.u32 v3, $0x3  }
0xde: {  	v4 =	vmul.u32 $0x18, v32  }
0xdf: {  	v3 =	vand.u32 $0x7, v3  }
0xe0: {  	v3 =	vor.u32 v3, v4  }
0xe1: {  	v4 =	vperm.xlane v3, v0;
	_ =	sdelay $0x1  }
0xe2: {  	v3 =	vperm.xlane v3, v2;
	v4 =	vadd.s32 v1, v4;
	_ =	sdelay $0x1  }
0xe3: {  	v3 =	vadd.s32 v1, v3;
	_ =	sdelay $0x1  }
0xe4: {  	s14 =	simm.s32 $0x8000  }
0xe5: {  	[tilespmem:s14], [sflag:$0x2] =	stream.indirect_vreg.gather [hbm4b:s6+s3], $0x80, v4, vm0, $0xb8;
	[tilespmem:$0x19C00] =	vst v63  }
0xe6: {  	s16 =	simm.s32 $0x8C00  }
0xe7: {  	[tilespmem:s16], [sflag:$0x2] =	stream.indirect_vreg.gather [hbm4b:s6+s3], $0x80, v3, vm0, $0xb8;
	[tilespmem:$0x19C00] =	vst v63  }
0xe8: {  	v3 =	vld [tilespmem:$0x50];
	_ =	sdelay $0x4  }
0xe9: {  	v33 =	vshrl.u32 v3, $0x3  }
0xea: {  	v4 =	vmul.u32 $0x18, v33  }
0xeb: {  	v3 =	vand.u32 $0x7, v3  }
0xec: {  	v3 =	vor.u32 v3, v4  }
0xed: {  	v4 =	vperm.xlane v3, v0;
	_ =	sdelay $0x1  }
0xee: {  	v3 =	vperm.xlane v3, v2;
	v4 =	vadd.s32 v1, v4;
	_ =	sdelay $0x1  }
0xef: {  	v3 =	vadd.s32 v1, v3;
	_ =	sdelay $0x1  }
0xf0: {  	s14 =	simm.s32 $0x9800  }
0xf1: {  	[tilespmem:s14], [sflag:$0x2] =	stream.indirect_vreg.gather [hbm4b:s6+s3], $0x80, v4, vm0, $0xb8;
	[tilespmem:$0x19C00] =	vst v63  }
0xf2: {  	s16 =	simm.s32 $0xA400  }
0xf3: {  	[tilespmem:s16], [sflag:$0x2] =	stream.indirect_vreg.gather [hbm4b:s6+s3], $0x80, v3, vm0, $0xb8;
	[tilespmem:$0x19C00] =	vst v63  }
0xf4: {  	v3 =	vld [tilespmem:$0x60];
	_ =	sdelay $0x4  }
0xf5: {  	v34 =	vshrl.u32 v3, $0x3  }
0xf6: {  	v4 =	vmul.u32 $0x18, v34  }
0xf7: {  	v3 =	vand.u32 $0x7, v3  }
0xf8: {  	v3 =	vor.u32 v3, v4  }
0xf9: {  	v4 =	vperm.xlane v3, v0;
	_ =	sdelay $0x1  }
0xfa: {  	v3 =	vperm.xlane v3, v2;
	v4 =	vadd.s32 v1, v4;
	_ =	sdelay $0x1  }
0xfb: {  	v3 =	vadd.s32 v1, v3;
	_ =	sdelay $0x1  }
0xfc: {  	s14 =	simm.s32 $0xB000  }
0xfd: {  	[tilespmem:s14], [sflag:$0x2] =	stream.indirect_vreg.gather [hbm4b:s6+s3], $0x80, v4, vm0, $0xb8;
	[tilespmem:$0x19C00] =	vst v63  }
0xfe: {  	s16 =	simm.s32 $0xBC00  }
0xff: {  	[tilespmem:s16], [sflag:$0x2] =	stream.indirect_vreg.gather [hbm4b:s6+s3], $0x80, v3, vm0, $0xb8;
	[tilespmem:$0x19C00] =	vst v63  }
0x100: {  	v3 =	vld [tilespmem:$0x70];
	_ =	sdelay $0x4  }
0x101: {  	v35 =	vshrl.u32 v3, $0x3  }
0x102: {  	v4 =	vmul.u32 $0x18, v35  }
0x103: {  	v3 =	vand.u32 $0x7, v3  }
0x104: {  	v3 =	vor.u32 v3, v4  }
0x105: {  	v4 =	vperm.xlane v3, v0;
	_ =	sdelay $0x1  }
0x106: {  	v3 =	vperm.xlane v3, v2;
	v4 =	vadd.s32 v1, v4;
	_ =	sdelay $0x1  }
0x107: {  	v3 =	vadd.s32 v1, v3;
	_ =	sdelay $0x1  }
0x108: {  	s14 =	simm.s32 $0xC800  }
0x109: {  	[tilespmem:s14], [sflag:$0x2] =	stream.indirect_vreg.gather [hbm4b:s6+s3], $0x80, v4, vm0, $0xb8;
	[tilespmem:$0x19C00] =	vst v63  }
0x10a: {  	s16 =	simm.s32 $0xD400  }
0x10b: {  	[tilespmem:s16], [sflag:$0x2] =	stream.indirect_vreg.gather [hbm4b:s6+s3], $0x80, v3, vm0, $0xb8;
	[tilespmem:$0x19C00] =	vst v63  }
0x10c: {  	v3 =	vld [tilespmem:$0x40];
	_ =	sdelay $0x4  }
0x10d: {  	v36 =	vperm.xlane v3, v0;
	_ =	sdelay $0x1  }
0x10e: {  	v3 =	vperm.xlane v3, v2;
	v4 =	vadd.s32 v1, v36;
	_ =	sdelay $0x1  }
0x10f: {  	v3 =	vadd.s32 v1, v3;
	_ =	sdelay $0x1  }
0x110: {  	s14 =	simm.s32 $0x8400  }
0x111: {  	[tilespmem:s14], [sflag:$0x2] =	stream.indirect_vreg.gather [hbm4b:s4+s3], $0x80, v4, vm0, $0xb8;
	[tilespmem:$0x19C00] =	vst v63  }
0x112: {  	s16 =	simm.s32 $0x9000  }
0x113: {  	[tilespmem:s16], [sflag:$0x2] =	stream.indirect_vreg.gather [hbm4b:s4+s3], $0x80, v3, vm0, $0xb8;
	[tilespmem:$0x19C00] =	vst v63  }
0x114: {  	v3 =	vld [tilespmem:$0x50];
	_ =	sdelay $0x4  }
0x115: {  	v37 =	vperm.xlane v3, v0;
	_ =	sdelay $0x1  }
0x116: {  	v3 =	vperm.xlane v3, v2;
	v4 =	vadd.s32 v1, v37;
	_ =	sdelay $0x1  }
0x117: {  	v3 =	vadd.s32 v1, v3;
	_ =	sdelay $0x1  }
0x118: {  	s14 =	simm.s32 $0x9C00  }
0x119: {  	[tilespmem:s14], [sflag:$0x2] =	stream.indirect_vreg.gather [hbm4b:s4+s3], $0x80, v4, vm0, $0xb8;
	[tilespmem:$0x19C00] =	vst v63  }
0x11a: {  	s16 =	simm.s32 $0xA800  }
0x11b: {  	[tilespmem:s16], [sflag:$0x2] =	stream.indirect_vreg.gather [hbm4b:s4+s3], $0x80, v3, vm0, $0xb8;
	[tilespmem:$0x19C00] =	vst v63  }
0x11c: {  	v3 =	vld [tilespmem:$0x60];
	_ =	sdelay $0x4  }
0x11d: {  	v38 =	vperm.xlane v3, v0;
	_ =	sdelay $0x1  }
0x11e: {  	v3 =	vperm.xlane v3, v2;
	v4 =	vadd.s32 v1, v38;
	_ =	sdelay $0x1  }
0x11f: {  	v3 =	vadd.s32 v1, v3;
	_ =	sdelay $0x1  }
0x120: {  	s14 =	simm.s32 $0xB400  }
0x121: {  	[tilespmem:s14], [sflag:$0x2] =	stream.indirect_vreg.gather [hbm4b:s4+s3], $0x80, v4, vm0, $0xb8;
	[tilespmem:$0x19C00] =	vst v63  }
0x122: {  	s16 =	simm.s32 $0xC000  }
0x123: {  	[tilespmem:s16], [sflag:$0x2] =	stream.indirect_vreg.gather [hbm4b:s4+s3], $0x80, v3, vm0, $0xb8;
	[tilespmem:$0x19C00] =	vst v63  }
0x124: {  	v3 =	vld [tilespmem:$0x70];
	_ =	sdelay $0x4  }
0x125: {  	v39 =	vperm.xlane v3, v0;
	_ =	sdelay $0x1  }
0x126: {  	v3 =	vperm.xlane v3, v2;
	v4 =	vadd.s32 v1, v39;
	_ =	sdelay $0x1  }
0x127: {  	v3 =	vadd.s32 v1, v3;
	_ =	sdelay $0x1  }
0x128: {  	s14 =	simm.s32 $0xCC00  }
0x129: {  	[tilespmem:s14], [sflag:$0x2] =	stream.indirect_vreg.gather [hbm4b:s4+s3], $0x80, v4, vm0, $0xb8;
	[tilespmem:$0x19C00] =	vst v63  }
0x12a: {  	s16 =	simm.s32 $0xD800  }
0x12b: {  	[tilespmem:s16], [sflag:$0x2] =	stream.indirect_vreg.gather [hbm4b:s4+s3], $0x80, v3, vm0, $0xb8;
	[tilespmem:$0x19C00] =	vst v63  }
0x12c: {  	v3 =	vld [tilespmem:$0x80];
	_ =	sdelay $0x4  }
0x12d: {  	v40 =	vshrl.u32 v3, $0x3  }
0x12e: {  	v4 =	vmul.u32 $0x18, v40  }
0x12f: {  	v3 =	vand.u32 $0x7, v3  }
0x130: {  	v3 =	vor.u32 v3, v4  }
0x131: {  	v4 =	vperm.xlane v3, v0;
	_ =	sdelay $0x1  }
0x132: {  	v3 =	vperm.xlane v3, v2;
	v4 =	vadd.s32 v1, v4;
	_ =	sdelay $0x1  }
0x133: {  	v3 =	vadd.s32 v1, v3;
	_ =	sdelay $0x2  }
0x134: {  	[tilespmem:s18], [sflag:$0x3] =	stream.indirect_vreg.gather [hbm4b:s2+s3], $0x80, v4, vm0, $0xb8;
	[tilespmem:$0x19C00] =	vst v63  }
0x135: {  	s14 =	simm.s32 $0xE800  }
0x136: {  	[tilespmem:s14], [sflag:$0x3] =	stream.indirect_vreg.gather [hbm4b:s2+s3], $0x80, v3, vm0, $0xb8;
	[tilespmem:$0x19C00] =	vst v63  }
0x137: {  	v3 =	vld [tilespmem:$0x90];
	_ =	sdelay $0x4  }
0x138: {  	v41 =	vshrl.u32 v3, $0x3  }
0x139: {  	v4 =	vmul.u32 $0x18, v41  }
0x13a: {  	v3 =	vand.u32 $0x7, v3  }
0x13b: {  	v3 =	vor.u32 v3, v4  }
0x13c: {  	v4 =	vperm.xlane v3, v0;
	_ =	sdelay $0x1  }
0x13d: {  	v3 =	vperm.xlane v3, v2;
	v4 =	vadd.s32 v1, v4;
	_ =	sdelay $0x1  }
0x13e: {  	v3 =	vadd.s32 v1, v3;
	_ =	sdelay $0x1  }
0x13f: {  	s16 =	simm.s32 $0xF400  }
0x140: {  	[tilespmem:s16], [sflag:$0x3] =	stream.indirect_vreg.gather [hbm4b:s2+s3], $0x80, v4, vm0, $0xb8;
	[tilespmem:$0x19C00] =	vst v63  }
0x141: {  	s14 =	simm.s32 $0x10000  }
0x142: {  	[tilespmem:s14], [sflag:$0x3] =	stream.indirect_vreg.gather [hbm4b:s2+s3], $0x80, v3, vm0, $0xb8;
	[tilespmem:$0x19C00] =	vst v63  }
0x143: {  	v3 =	vld [tilespmem:$0xA0];
	_ =	sdelay $0x4  }
0x144: {  	v42 =	vshrl.u32 v3, $0x3  }
0x145: {  	v4 =	vmul.u32 $0x18, v42  }
0x146: {  	v3 =	vand.u32 $0x7, v3  }
0x147: {  	v3 =	vor.u32 v3, v4  }
0x148: {  	v4 =	vperm.xlane v3, v0;
	_ =	sdelay $0x1  }
0x149: {  	v3 =	vperm.xlane v3, v2;
	v4 =	vadd.s32 v1, v4;
	_ =	sdelay $0x1  }
0x14a: {  	v3 =	vadd.s32 v1, v3;
	_ =	sdelay $0x1  }
0x14b: {  	s16 =	simm.s32 $0x10C00  }
0x14c: {  	[tilespmem:s16], [sflag:$0x3] =	stream.indirect_vreg.gather [hbm4b:s2+s3], $0x80, v4, vm0, $0xb8;
	[tilespmem:$0x19C00] =	vst v63  }
0x14d: {  	s14 =	simm.s32 $0x11800  }
0x14e: {  	[tilespmem:s14], [sflag:$0x3] =	stream.indirect_vreg.gather [hbm4b:s2+s3], $0x80, v3, vm0, $0xb8;
	[tilespmem:$0x19C00] =	vst v63  }
0x14f: {  	v3 =	vld [tilespmem:$0xB0];
	_ =	sdelay $0x4  }
0x150: {  	v43 =	vshrl.u32 v3, $0x3  }
0x151: {  	v4 =	vmul.u32 $0x18, v43  }
0x152: {  	v3 =	vand.u32 $0x7, v3  }
0x153: {  	v3 =	vor.u32 v3, v4  }
0x154: {  	v4 =	vperm.xlane v3, v0;
	_ =	sdelay $0x1  }
0x155: {  	v3 =	vperm.xlane v3, v2;
	v4 =	vadd.s32 v1, v4;
	_ =	sdelay $0x1  }
0x156: {  	v3 =	vadd.s32 v1, v3;
	_ =	sdelay $0x1  }
0x157: {  	s16 =	simm.s32 $0x12400  }
0x158: {  	[tilespmem:s16], [sflag:$0x3] =	stream.indirect_vreg.gather [hbm4b:s2+s3], $0x80, v4, vm0, $0xb8;
	[tilespmem:$0x19C00] =	vst v63  }
0x159: {  	s14 =	simm.s32 $0x13000  }
0x15a: {  	[tilespmem:s14], [sflag:$0x3] =	stream.indirect_vreg.gather [hbm4b:s2+s3], $0x80, v3, vm0, $0xb8;
	[tilespmem:$0x19C00] =	vst v63  }
0x15b: {  	v3 =	vld [tilespmem:$0x80];
	_ =	sdelay $0x4  }
0x15c: {  	v44 =	vshrl.u32 v3, $0x3  }
0x15d: {  	v4 =	vmul.u32 $0x18, v44  }
0x15e: {  	v3 =	vand.u32 $0x7, v3  }
0x15f: {  	v3 =	vor.u32 v3, v4  }
0x160: {  	v4 =	vperm.xlane v3, v0;
	_ =	sdelay $0x1  }
0x161: {  	v3 =	vperm.xlane v3, v2;
	v4 =	vadd.s32 v1, v4;
	_ =	sdelay $0x1  }
0x162: {  	v3 =	vadd.s32 v1, v3;
	_ =	sdelay $0x1  }
0x163: {  	s16 =	simm.s32 $0xE000  }
0x164: {  	[tilespmem:s16], [sflag:$0x3] =	stream.indirect_vreg.gather [hbm4b:s6+s3], $0x80, v4, vm0, $0xb8;
	[tilespmem:$0x19C00] =	vst v63  }
0x165: {  	s14 =	simm.s32 $0xEC00  }
0x166: {  	[tilespmem:s14], [sflag:$0x3] =	stream.indirect_vreg.gather [hbm4b:s6+s3], $0x80, v3, vm0, $0xb8;
	[tilespmem:$0x19C00] =	vst v63  }
0x167: {  	v3 =	vld [tilespmem:$0x90];
	_ =	sdelay $0x4  }
0x168: {  	v45 =	vshrl.u32 v3, $0x3  }
0x169: {  	v4 =	vmul.u32 $0x18, v45  }
0x16a: {  	v3 =	vand.u32 $0x7, v3  }
0x16b: {  	v3 =	vor.u32 v3, v4  }
0x16c: {  	v4 =	vperm.xlane v3, v0;
	_ =	sdelay $0x1  }
0x16d: {  	v3 =	vperm.xlane v3, v2;
	v4 =	vadd.s32 v1, v4;
	_ =	sdelay $0x1  }
0x16e: {  	v3 =	vadd.s32 v1, v3;
	_ =	sdelay $0x1  }
0x16f: {  	s16 =	simm.s32 $0xF800  }
0x170: {  	[tilespmem:s16], [sflag:$0x3] =	stream.indirect_vreg.gather [hbm4b:s6+s3], $0x80, v4, vm0, $0xb8;
	[tilespmem:$0x19C00] =	vst v63  }
0x171: {  	s14 =	simm.s32 $0x10400  }
0x172: {  	[tilespmem:s14], [sflag:$0x3] =	stream.indirect_vreg.gather [hbm4b:s6+s3], $0x80, v3, vm0, $0xb8;
	[tilespmem:$0x19C00] =	vst v63  }
0x173: {  	v3 =	vld [tilespmem:$0xA0];
	_ =	sdelay $0x4  }
0x174: {  	v46 =	vshrl.u32 v3, $0x3  }
0x175: {  	v4 =	vmul.u32 $0x18, v46  }
0x176: {  	v3 =	vand.u32 $0x7, v3  }
0x177: {  	v3 =	vor.u32 v3, v4  }
0x178: {  	v4 =	vperm.xlane v3, v0;
	_ =	sdelay $0x1  }
0x179: {  	v3 =	vperm.xlane v3, v2;
	v4 =	vadd.s32 v1, v4;
	_ =	sdelay $0x1  }
0x17a: {  	v3 =	vadd.s32 v1, v3;
	_ =	sdelay $0x1  }
0x17b: {  	s16 =	simm.s32 $0x11000  }
0x17c: {  	[tilespmem:s16], [sflag:$0x3] =	stream.indirect_vreg.gather [hbm4b:s6+s3], $0x80, v4, vm0, $0xb8;
	[tilespmem:$0x19C00] =	vst v63  }
0x17d: {  	s14 =	simm.s32 $0x11C00  }
0x17e: {  	[tilespmem:s14], [sflag:$0x3] =	stream.indirect_vreg.gather [hbm4b:s6+s3], $0x80, v3, vm0, $0xb8;
	[tilespmem:$0x19C00] =	vst v63  }
0x17f: {  	v3 =	vld [tilespmem:$0xB0];
	_ =	sdelay $0x4  }
0x180: {  	v47 =	vshrl.u32 v3, $0x3  }
0x181: {  	v4 =	vmul.u32 $0x18, v47  }
0x182: {  	v3 =	vand.u32 $0x7, v3  }
0x183: {  	v3 =	vor.u32 v3, v4  }
0x184: {  	v4 =	vperm.xlane v3, v0;
	_ =	sdelay $0x1  }
0x185: {  	v3 =	vperm.xlane v3, v2;
	v4 =	vadd.s32 v1, v4;
	_ =	sdelay $0x1  }
0x186: {  	v3 =	vadd.s32 v1, v3;
	_ =	sdelay $0x1  }
0x187: {  	s16 =	simm.s32 $0x12800  }
0x188: {  	[tilespmem:s16], [sflag:$0x3] =	stream.indirect_vreg.gather [hbm4b:s6+s3], $0x80, v4, vm0, $0xb8;
	[tilespmem:$0x19C00] =	vst v63  }
0x189: {  	s14 =	simm.s32 $0x13400  }
0x18a: {  	[tilespmem:s14], [sflag:$0x3] =	stream.indirect_vreg.gather [hbm4b:s6+s3], $0x80, v3, vm0, $0xb8;
	[tilespmem:$0x19C00] =	vst v63  }
0x18b: {  	v3 =	vld [tilespmem:$0x80];
	_ =	sdelay $0x4  }
0x18c: {  	v48 =	vperm.xlane v3, v0;
	_ =	sdelay $0x1  }
0x18d: {  	v3 =	vperm.xlane v3, v2;
	v4 =	vadd.s32 v1, v48;
	_ =	sdelay $0x1  }
0x18e: {  	v3 =	vadd.s32 v1, v3;
	_ =	sdelay $0x1  }
0x18f: {  	s16 =	simm.s32 $0xE400  }
0x190: {  	[tilespmem:s16], [sflag:$0x3] =	stream.indirect_vreg.gather [hbm4b:s4+s3], $0x80, v4, vm0, $0xb8;
	[tilespmem:$0x19C00] =	vst v63  }
0x191: {  	s14 =	simm.s32 $0xF000  }
0x192: {  	[tilespmem:s14], [sflag:$0x3] =	stream.indirect_vreg.gather [hbm4b:s4+s3], $0x80, v3, vm0, $0xb8;
	[tilespmem:$0x19C00] =	vst v63  }
0x193: {  	v3 =	vld [tilespmem:$0x90];
	_ =	sdelay $0x4  }
0x194: {  	v49 =	vperm.xlane v3, v0;
	_ =	sdelay $0x1  }
0x195: {  	v3 =	vperm.xlane v3, v2;
	v4 =	vadd.s32 v1, v49;
	_ =	sdelay $0x1  }
0x196: {  	v3 =	vadd.s32 v1, v3;
	_ =	sdelay $0x1  }
0x197: {  	s16 =	simm.s32 $0xFC00  }
0x198: {  	[tilespmem:s16], [sflag:$0x3] =	stream.indirect_vreg.gather [hbm4b:s4+s3], $0x80, v4, vm0, $0xb8;
	[tilespmem:$0x19C00] =	vst v63  }
0x199: {  	s14 =	simm.s32 $0x10800  }
0x19a: {  	[tilespmem:s14], [sflag:$0x3] =	stream.indirect_vreg.gather [hbm4b:s4+s3], $0x80, v3, vm0, $0xb8;
	[tilespmem:$0x19C00] =	vst v63  }
0x19b: {  	v3 =	vld [tilespmem:$0xA0];
	_ =	sdelay $0x4  }
0x19c: {  	v50 =	vperm.xlane v3, v0;
	_ =	sdelay $0x1  }
0x19d: {  	v3 =	vperm.xlane v3, v2;
	v4 =	vadd.s32 v1, v50;
	_ =	sdelay $0x1  }
0x19e: {  	v3 =	vadd.s32 v1, v3;
	_ =	sdelay $0x1  }
0x19f: {  	s16 =	simm.s32 $0x11400  }
0x1a0: {  	[tilespmem:s16], [sflag:$0x3] =	stream.indirect_vreg.gather [hbm4b:s4+s3], $0x80, v4, vm0, $0xb8;
	[tilespmem:$0x19C00] =	vst v63  }
0x1a1: {  	s14 =	simm.s32 $0x12000  }
0x1a2: {  	[tilespmem:s14], [sflag:$0x3] =	stream.indirect_vreg.gather [hbm4b:s4+s3], $0x80, v3, vm0, $0xb8;
	[tilespmem:$0x19C00] =	vst v63  }
0x1a3: {  	v3 =	vld [tilespmem:$0xB0];
	_ =	sdelay $0x4  }
0x1a4: {  	v51 =	vperm.xlane v3, v0;
	_ =	sdelay $0x1  }
0x1a5: {  	v3 =	vperm.xlane v3, v2;
	v4 =	vadd.s32 v1, v51;
	_ =	sdelay $0x1  }
0x1a6: {  	v3 =	vadd.s32 v1, v3;
	_ =	sdelay $0x1  }
0x1a7: {  	s16 =	simm.s32 $0x12C00  }
0x1a8: {  	[tilespmem:s16], [sflag:$0x3] =	stream.indirect_vreg.gather [hbm4b:s4+s3], $0x80, v4, vm0, $0xb8;
	[tilespmem:$0x19C00] =	vst v63  }
0x1a9: {  	s14 =	simm.s32 $0x13800  }
0x1aa: {  	[tilespmem:s14], [sflag:$0x3] =	stream.indirect_vreg.gather [hbm4b:s4+s3], $0x80, v3, vm0, $0xb8;
	[tilespmem:$0x19C00] =	vst v63  }
0x1ab: {  	v3 =	vld [tilespmem:$0xC0];
	_ =	sdelay $0x4  }
0x1ac: {  	v52 =	vshrl.u32 v3, $0x3  }
0x1ad: {  	v4 =	vmul.u32 $0x18, v52  }
0x1ae: {  	v3 =	vand.u32 $0x7, v3  }
0x1af: {  	v3 =	vor.u32 v3, v4  }
0x1b0: {  	v4 =	vperm.xlane v3, v0;
	_ =	sdelay $0x1  }
0x1b1: {  	v3 =	vperm.xlane v3, v2;
	v4 =	vadd.s32 v1, v4;
	_ =	sdelay $0x1  }
0x1b2: {  	v3 =	vadd.s32 v1, v3;
	_ =	sdelay $0x2  }
0x1b3: {  	[tilespmem:s22], [sflag:$0x4] =	stream.indirect_vreg.gather [hbm4b:s2+s3], $0x80, v4, vm0, $0xb8;
	[tilespmem:$0x19C00] =	vst v63  }
0x1b4: {  	s16 =	simm.s32 $0x14800  }
0x1b5: {  	[tilespmem:s16], [sflag:$0x4] =	stream.indirect_vreg.gather [hbm4b:s2+s3], $0x80, v3, vm0, $0xb8;
	[tilespmem:$0x19C00] =	vst v63  }
0x1b6: {  	v3 =	vld [tilespmem:$0xD0];
	_ =	sdelay $0x4  }
0x1b7: {  	v53 =	vshrl.u32 v3, $0x3  }
0x1b8: {  	v4 =	vmul.u32 $0x18, v53  }
0x1b9: {  	v3 =	vand.u32 $0x7, v3  }
0x1ba: {  	v3 =	vor.u32 v3, v4  }
0x1bb: {  	v4 =	vperm.xlane v3, v0;
	_ =	sdelay $0x1  }
0x1bc: {  	v3 =	vperm.xlane v3, v2;
	v4 =	vadd.s32 v1, v4;
	_ =	sdelay $0x1  }
0x1bd: {  	v3 =	vadd.s32 v1, v3;
	_ =	sdelay $0x1  }
0x1be: {  	s14 =	simm.s32 $0x15400  }
0x1bf: {  	[tilespmem:s14], [sflag:$0x4] =	stream.indirect_vreg.gather [hbm4b:s2+s3], $0x80, v4, vm0, $0xb8;
	[tilespmem:$0x19C00] =	vst v63  }
0x1c0: {  	s16 =	simm.s32 $0x16000  }
0x1c1: {  	[tilespmem:s16], [sflag:$0x4] =	stream.indirect_vreg.gather [hbm4b:s2+s3], $0x80, v3, vm0, $0xb8;
	[tilespmem:$0x19C00] =	vst v63  }
0x1c2: {  	v3 =	vld [tilespmem:$0xE0];
	_ =	sdelay $0x4  }
0x1c3: {  	v54 =	vshrl.u32 v3, $0x3  }
0x1c4: {  	v4 =	vmul.u32 $0x18, v54  }
0x1c5: {  	v3 =	vand.u32 $0x7, v3  }
0x1c6: {  	v3 =	vor.u32 v3, v4  }
0x1c7: {  	v4 =	vperm.xlane v3, v0;
	_ =	sdelay $0x1  }
0x1c8: {  	v3 =	vperm.xlane v3, v2;
	v4 =	vadd.s32 v1, v4;
	_ =	sdelay $0x1  }
0x1c9: {  	v3 =	vadd.s32 v1, v3;
	_ =	sdelay $0x1  }
0x1ca: {  	s14 =	simm.s32 $0x16C00  }
0x1cb: {  	[tilespmem:s14], [sflag:$0x4] =	stream.indirect_vreg.gather [hbm4b:s2+s3], $0x80, v4, vm0, $0xb8;
	[tilespmem:$0x19C00] =	vst v63  }
0x1cc: {  	s16 =	simm.s32 $0x17800  }
0x1cd: {  	[tilespmem:s16], [sflag:$0x4] =	stream.indirect_vreg.gather [hbm4b:s2+s3], $0x80, v3, vm0, $0xb8;
	[tilespmem:$0x19C00] =	vst v63  }
0x1ce: {  	v3 =	vld [tilespmem:$0xF0];
	_ =	sdelay $0x4  }
0x1cf: {  	v55 =	vshrl.u32 v3, $0x3  }
0x1d0: {  	v4 =	vmul.u32 $0x18, v55  }
0x1d1: {  	v3 =	vand.u32 $0x7, v3  }
0x1d2: {  	v3 =	vor.u32 v3, v4  }
0x1d3: {  	v4 =	vperm.xlane v3, v0;
	_ =	sdelay $0x1  }
0x1d4: {  	v3 =	vperm.xlane v3, v2;
	v4 =	vadd.s32 v1, v4;
	_ =	sdelay $0x1  }
0x1d5: {  	v3 =	vadd.s32 v1, v3;
	_ =	sdelay $0x1  }
0x1d6: {  	s14 =	simm.s32 $0x18400  }
0x1d7: {  	[tilespmem:s14], [sflag:$0x4] =	stream.indirect_vreg.gather [hbm4b:s2+s3], $0x80, v4, vm0, $0xb8;
	[tilespmem:$0x19C00] =	vst v63  }
0x1d8: {  	s16 =	simm.s32 $0x19000  }
0x1d9: {  	[tilespmem:s16], [sflag:$0x4] =	stream.indirect_vreg.gather [hbm4b:s2+s3], $0x80, v3, vm0, $0xb8;
	[tilespmem:$0x19C00] =	vst v63  }
0x1da: {  	v3 =	vld [tilespmem:$0xC0];
	_ =	sdelay $0x4  }
0x1db: {  	v56 =	vshrl.u32 v3, $0x3  }
0x1dc: {  	v4 =	vmul.u32 $0x18, v56  }
0x1dd: {  	v3 =	vand.u32 $0x7, v3  }
0x1de: {  	v3 =	vor.u32 v3, v4  }
0x1df: {  	v4 =	vperm.xlane v3, v0;
	_ =	sdelay $0x1  }
0x1e0: {  	v3 =	vperm.xlane v3, v2;
	v4 =	vadd.s32 v1, v4;
	_ =	sdelay $0x1  }
0x1e1: {  	v3 =	vadd.s32 v1, v3;
	_ =	sdelay $0x1  }
0x1e2: {  	s14 =	simm.s32 $0x14000  }
0x1e3: {  	[tilespmem:s14], [sflag:$0x4] =	stream.indirect_vreg.gather [hbm4b:s6+s3], $0x80, v4, vm0, $0xb8;
	[tilespmem:$0x19C00] =	vst v63  }
0x1e4: {  	s16 =	simm.s32 $0x14C00  }
0x1e5: {  	[tilespmem:s16], [sflag:$0x4] =	stream.indirect_vreg.gather [hbm4b:s6+s3], $0x80, v3, vm0, $0xb8;
	[tilespmem:$0x19C00] =	vst v63  }
0x1e6: {  	v3 =	vld [tilespmem:$0xD0];
	_ =	sdelay $0x4  }
0x1e7: {  	v57 =	vshrl.u32 v3, $0x3  }
0x1e8: {  	v4 =	vmul.u32 $0x18, v57  }
0x1e9: {  	v3 =	vand.u32 $0x7, v3  }
0x1ea: {  	v3 =	vor.u32 v3, v4  }
0x1eb: {  	v4 =	vperm.xlane v3, v0;
	_ =	sdelay $0x1  }
0x1ec: {  	v3 =	vperm.xlane v3, v2;
	v4 =	vadd.s32 v1, v4;
	_ =	sdelay $0x1  }
0x1ed: {  	v3 =	vadd.s32 v1, v3;
	_ =	sdelay $0x1  }
0x1ee: {  	s14 =	simm.s32 $0x15800  }
0x1ef: {  	[tilespmem:s14], [sflag:$0x4] =	stream.indirect_vreg.gather [hbm4b:s6+s3], $0x80, v4, vm0, $0xb8;
	[tilespmem:$0x19C00] =	vst v63  }
0x1f0: {  	s16 =	simm.s32 $0x16400  }
0x1f1: {  	[tilespmem:s16], [sflag:$0x4] =	stream.indirect_vreg.gather [hbm4b:s6+s3], $0x80, v3, vm0, $0xb8;
	[tilespmem:$0x19C00] =	vst v63  }
0x1f2: {  	v3 =	vld [tilespmem:$0xE0];
	_ =	sdelay $0x4  }
0x1f3: {  	v58 =	vshrl.u32 v3, $0x3  }
0x1f4: {  	v4 =	vmul.u32 $0x18, v58  }
0x1f5: {  	v3 =	vand.u32 $0x7, v3  }
0x1f6: {  	v3 =	vor.u32 v3, v4  }
0x1f7: {  	v4 =	vperm.xlane v3, v0;
	_ =	sdelay $0x1  }
0x1f8: {  	v3 =	vperm.xlane v3, v2;
	v4 =	vadd.s32 v1, v4;
	_ =	sdelay $0x1  }
0x1f9: {  	v3 =	vadd.s32 v1, v3;
	_ =	sdelay $0x1  }
0x1fa: {  	s14 =	simm.s32 $0x17000  }
0x1fb: {  	[tilespmem:s14], [sflag:$0x4] =	stream.indirect_vreg.gather [hbm4b:s6+s3], $0x80, v4, vm0, $0xb8;
	[tilespmem:$0x19C00] =	vst v63  }
0x1fc: {  	s16 =	simm.s32 $0x17C00  }
0x1fd: {  	[tilespmem:s16], [sflag:$0x4] =	stream.indirect_vreg.gather [hbm4b:s6+s3], $0x80, v3, vm0, $0xb8;
	[tilespmem:$0x19C00] =	vst v63  }
0x1fe: {  	v3 =	vld [tilespmem:$0xF0];
	_ =	sdelay $0x4  }
0x1ff: {  	v59 =	vshrl.u32 v3, $0x3  }
0x200: {  	v4 =	vmul.u32 $0x18, v59  }
0x201: {  	v3 =	vand.u32 $0x7, v3  }
0x202: {  	v3 =	vor.u32 v3, v4  }
0x203: {  	v4 =	vperm.xlane v3, v0;
	_ =	sdelay $0x1  }
0x204: {  	v3 =	vperm.xlane v3, v2;
	v4 =	vadd.s32 v1, v4;
	_ =	sdelay $0x1  }
0x205: {  	v3 =	vadd.s32 v1, v3;
	_ =	sdelay $0x1  }
0x206: {  	s14 =	simm.s32 $0x18800  }
0x207: {  	[tilespmem:s14], [sflag:$0x4] =	stream.indirect_vreg.gather [hbm4b:s6+s3], $0x80, v4, vm0, $0xb8;
	[tilespmem:$0x19C00] =	vst v63  }
0x208: {  	s16 =	simm.s32 $0x19400  }
0x209: {  	[tilespmem:s16], [sflag:$0x4] =	stream.indirect_vreg.gather [hbm4b:s6+s3], $0x80, v3, vm0, $0xb8;
	[tilespmem:$0x19C00] =	vst v63  }
0x20a: {  	v3 =	vld [tilespmem:$0xC0];
	_ =	sdelay $0x4  }
0x20b: {  	v60 =	vperm.xlane v3, v0;
	_ =	sdelay $0x1  }
0x20c: {  	v3 =	vperm.xlane v3, v2;
	v4 =	vadd.s32 v1, v60;
	_ =	sdelay $0x1  }
0x20d: {  	v3 =	vadd.s32 v1, v3;
	_ =	sdelay $0x2  }
0x20e: {  	[tilespmem:s17], [sflag:$0x4] =	stream.indirect_vreg.gather [hbm4b:s4+s3], $0x80, v4, vm0, $0xb8;
	[tilespmem:$0x19C00] =	vst v63  }
0x20f: {  	_ = 	snop  }
0x210: {  	[tilespmem:s19], [sflag:$0x4] =	stream.indirect_vreg.gather [hbm4b:s4+s3], $0x80, v3, vm0, $0xb8;
	[tilespmem:$0x19C00] =	vst v63  }
0x211: {  	v3 =	vld [tilespmem:$0xD0];
	_ =	sdelay $0x4  }
0x212: {  	v61 =	vperm.xlane v3, v0;
	_ =	sdelay $0x1  }
0x213: {  	v3 =	vperm.xlane v3, v2;
	v4 =	vadd.s32 v1, v61;
	_ =	sdelay $0x1  }
0x214: {  	v3 =	vadd.s32 v1, v3;
	_ =	sdelay $0x2  }
0x215: {  	[tilespmem:s20], [sflag:$0x4] =	stream.indirect_vreg.gather [hbm4b:s4+s3], $0x80, v4, vm0, $0xb8;
	[tilespmem:$0x19C00] =	vst v63  }
0x216: {  	_ = 	snop  }
0x217: {  	[tilespmem:s21], [sflag:$0x4] =	stream.indirect_vreg.gather [hbm4b:s4+s3], $0x80, v3, vm0, $0xb8;
	[tilespmem:$0x19C00] =	vst v63  }
0x218: {  	v3 =	vld [tilespmem:$0xE0];
	_ =	sdelay $0x4  }
0x219: {  	v62 =	vperm.xlane v3, v0;
	_ =	sdelay $0x1  }
0x21a: {  	v3 =	vperm.xlane v3, v2;
	v4 =	vadd.s32 v1, v62;
	_ =	sdelay $0x1  }
0x21b: {  	v3 =	vadd.s32 v1, v3;
	_ =	sdelay $0x2  }
0x21c: {  	[tilespmem:s23], [sflag:$0x4] =	stream.indirect_vreg.gather [hbm4b:s4+s3], $0x80, v4, vm0, $0xb8;
	[tilespmem:$0x19C00] =	vst v63  }
0x21d: {  	_ = 	snop  }
0x21e: {  	[tilespmem:s24], [sflag:$0x4] =	stream.indirect_vreg.gather [hbm4b:s4+s3], $0x80, v3, vm0, $0xb8;
	[tilespmem:$0x19C00] =	vst v63  }
0x21f: {  	v3 =	vld [tilespmem:$0xF0];
	_ =	sdelay $0x4  }
0x220: {  	v63 =	vperm.xlane v3, v0;
	_ =	sdelay $0x1  }
0x221: {  	v3 =	vperm.xlane v3, v2;
	v4 =	vadd.s32 v1, v63;
	_ =	sdelay $0x1  }
0x222: {  	v3 =	vadd.s32 v1, v3;
	_ =	sdelay $0x2  }
0x223: {  	[tilespmem:s25], [sflag:$0x4] =	stream.indirect_vreg.gather [hbm4b:s4+s3], $0x80, v4, vm0, $0xb8;
	[tilespmem:$0x19C00] =	vst v63  }
0x224: {  	s12 =	simm.s32 $0x1F0;
	s14 =	simm.s32 $0x0  }
0x225: {  	[tilespmem:s26], [sflag:$0x4] =	stream.indirect_vreg.gather [hbm4b:s4+s3], $0x80, v3, vm0, $0xb8;
	[tilespmem:$0x19C00] =	vst v63  }
.LBB2_2:
0x226: {  	_ =	swait.ge [sflag:s28], $0x6000  }
0x227: {  	[sflag:s28] =	ssyncset.done $0x0  }
0x228: {  	s16 =	sadd.s32 s14, s8;
	[sflag:s28] =	ssyncadd.s32 $0xFFFFA000  }
0x229: {  	[hbm4b:s16+s3] =	stream.linear.scatter [tilespmem:s13], [sflag:$0x5], $0x6000, $0x38;
	[tilespmem:$0x19C00] =	vst v63  }
0x22a: {  	_ =	swait.ge [sflag:s29], $0x6000  }
0x22b: {  	[sflag:s29] =	ssyncset.done $0x0  }
0x22c: {  	s16 =	sadd.s32 s14, s9;
	[sflag:s29] =	ssyncadd.s32 $0xFFFFA000  }
0x22d: {  	[hbm4b:s16+s3] =	stream.linear.scatter [tilespmem:s15], [sflag:$0x6], $0x6000, $0x38;
	[tilespmem:$0x19C00] =	vst v63  }
0x22e: {  	_ =	swait.ge [sflag:s30], $0x6000  }
0x22f: {  	[sflag:s30] =	ssyncset.done $0x0  }
0x230: {  	p0 =	seq.s32 s14, $0x51000;
	s16 =	sadd.s32 s14, s10;
	[sflag:s30] =	ssyncadd.s32 $0xFFFFA000  }
0x231: {  	[hbm4b:s16+s3] =	stream.linear.scatter [tilespmem:s18], [sflag:$0x7], $0x6000, $0x38;
	[tilespmem:$0x19C00] =	vst v63  }
.Ltmp2:
0x232: {  	_ = 	snop;
	(pc) =	sbr.rel @p0 .LBB2_4-.Ltmp2, $4  }
0x233: {  	_ =	swait.ge [sflag:s31], $0x6000  }
0x234: {  	[sflag:s31] =	ssyncset.done $0x0  }
0x235: {  	s16 =	sadd.s32 s14, s11;
	[sflag:s31] =	ssyncadd.s32 $0xFFFFA000  }
0x236: {  	[hbm4b:s16+s3] =	stream.linear.scatter [tilespmem:s22], [sflag:$0x8], $0x6000, $0x38;
	[tilespmem:$0x19C00] =	vst v63  }
0x237: {  	_ =	swait.ge [sflag:s1], $0x6000  }
0x238: {  	[sflag:s1] =	ssyncset.done $0x0  }
0x239: {  	[sflag:s1] =	ssyncadd.s32 $0xFFFFA000  }
0x23a: {  	v3 =	vld [tilespmem:s12+$0xFFFFFF10];
	_ =	sdelay $0x4  }
0x23b: {  	v4 =	vshrl.u32 v3, $0x3  }
0x23c: {  	v4 =	vmul.u32 $0x18, v4  }
0x23d: {  	v3 =	vand.u32 $0x7, v3  }
0x23e: {  	v3 =	vor.u32 v3, v4  }
0x23f: {  	v4 =	vperm.xlane v3, v0;
	_ =	sdelay $0x1  }
0x240: {  	v3 =	vperm.xlane v3, v2;
	v4 =	vadd.s32 v1, v4;
	_ =	sdelay $0x1  }
0x241: {  	v3 =	vadd.s32 v1, v3;
	_ =	sdelay $0x2  }
0x242: {  	[tilespmem:s13], [sflag:$0x1] =	stream.indirect_vreg.gather [hbm4b:s2+s3], $0x80, v4, vm0, $0xb8;
	[tilespmem:$0x19C00] =	vst v63  }
0x243: {  	s16 =	simm.s32 $0x2800  }
0x244: {  	[tilespmem:s16], [sflag:$0x1] =	stream.indirect_vreg.gather [hbm4b:s2+s3], $0x80, v3, vm0, $0xb8;
	[tilespmem:$0x19C00] =	vst v63  }
0x245: {  	v3 =	vld [tilespmem:s12+$0xFFFFFF20];
	_ =	sdelay $0x4  }
0x246: {  	v17 =	vshrl.u32 v3, $0x3  }
0x247: {  	v4 =	vmul.u32 $0x18, v17  }
0x248: {  	v3 =	vand.u32 $0x7, v3  }
0x249: {  	v3 =	vor.u32 v3, v4  }
0x24a: {  	v4 =	vperm.xlane v3, v0;
	_ =	sdelay $0x1  }
0x24b: {  	v3 =	vperm.xlane v3, v2;
	v4 =	vadd.s32 v1, v4;
	_ =	sdelay $0x1  }
0x24c: {  	v3 =	vadd.s32 v1, v3;
	_ =	sdelay $0x1  }
0x24d: {  	s16 =	simm.s32 $0x3400  }
0x24e: {  	[tilespmem:s16], [sflag:$0x1] =	stream.indirect_vreg.gather [hbm4b:s2+s3], $0x80, v4, vm0, $0xb8;
	[tilespmem:$0x19C00] =	vst v63  }
0x24f: {  	s16 =	simm.s32 $0x4000  }
0x250: {  	[tilespmem:s16], [sflag:$0x1] =	stream.indirect_vreg.gather [hbm4b:s2+s3], $0x80, v3, vm0, $0xb8;
	[tilespmem:$0x19C00] =	vst v63  }
0x251: {  	v3 =	vld [tilespmem:s12+$0xFFFFFF30];
	_ =	sdelay $0x4  }
0x252: {  	v18 =	vshrl.u32 v3, $0x3  }
0x253: {  	v4 =	vmul.u32 $0x18, v18  }
0x254: {  	v3 =	vand.u32 $0x7, v3  }
0x255: {  	v3 =	vor.u32 v3, v4  }
0x256: {  	v4 =	vperm.xlane v3, v0;
	_ =	sdelay $0x1  }
0x257: {  	v3 =	vperm.xlane v3, v2;
	v4 =	vadd.s32 v1, v4;
	_ =	sdelay $0x1  }
0x258: {  	v3 =	vadd.s32 v1, v3;
	_ =	sdelay $0x1  }
0x259: {  	s16 =	simm.s32 $0x4C00  }
0x25a: {  	[tilespmem:s16], [sflag:$0x1] =	stream.indirect_vreg.gather [hbm4b:s2+s3], $0x80, v4, vm0, $0xb8;
	[tilespmem:$0x19C00] =	vst v63  }
0x25b: {  	s16 =	simm.s32 $0x5800  }
0x25c: {  	[tilespmem:s16], [sflag:$0x1] =	stream.indirect_vreg.gather [hbm4b:s2+s3], $0x80, v3, vm0, $0xb8;
	[tilespmem:$0x19C00] =	vst v63  }
0x25d: {  	v3 =	vld [tilespmem:s12+$0xFFFFFF40];
	_ =	sdelay $0x4  }
0x25e: {  	v19 =	vshrl.u32 v3, $0x3  }
0x25f: {  	v4 =	vmul.u32 $0x18, v19  }
0x260: {  	v3 =	vand.u32 $0x7, v3  }
0x261: {  	v3 =	vor.u32 v3, v4  }
0x262: {  	v4 =	vperm.xlane v3, v0;
	_ =	sdelay $0x1  }
0x263: {  	v3 =	vperm.xlane v3, v2;
	v4 =	vadd.s32 v1, v4;
	_ =	sdelay $0x1  }
0x264: {  	v3 =	vadd.s32 v1, v3;
	_ =	sdelay $0x1  }
0x265: {  	s16 =	simm.s32 $0x6400  }
0x266: {  	[tilespmem:s16], [sflag:$0x1] =	stream.indirect_vreg.gather [hbm4b:s2+s3], $0x80, v4, vm0, $0xb8;
	[tilespmem:$0x19C00] =	vst v63  }
0x267: {  	s16 =	simm.s32 $0x7000  }
0x268: {  	[tilespmem:s16], [sflag:$0x1] =	stream.indirect_vreg.gather [hbm4b:s2+s3], $0x80, v3, vm0, $0xb8;
	[tilespmem:$0x19C00] =	vst v63  }
0x269: {  	v3 =	vld [tilespmem:s12+$0xFFFFFF10];
	_ =	sdelay $0x4  }
0x26a: {  	v20 =	vshrl.u32 v3, $0x3  }
0x26b: {  	v4 =	vmul.u32 $0x18, v20  }
0x26c: {  	v3 =	vand.u32 $0x7, v3  }
0x26d: {  	v3 =	vor.u32 v3, v4  }
0x26e: {  	v4 =	vperm.xlane v3, v0;
	_ =	sdelay $0x1  }
0x26f: {  	v3 =	vperm.xlane v3, v2;
	v4 =	vadd.s32 v1, v4;
	_ =	sdelay $0x1  }
0x270: {  	v3 =	vadd.s32 v1, v3;
	_ =	sdelay $0x1  }
0x271: {  	s16 =	simm.s32 $0x2000  }
0x272: {  	[tilespmem:s16], [sflag:$0x1] =	stream.indirect_vreg.gather [hbm4b:s6+s3], $0x80, v4, vm0, $0xb8;
	[tilespmem:$0x19C00] =	vst v63  }
0x273: {  	s16 =	simm.s32 $0x2C00  }
0x274: {  	[tilespmem:s16], [sflag:$0x1] =	stream.indirect_vreg.gather [hbm4b:s6+s3], $0x80, v3, vm0, $0xb8;
	[tilespmem:$0x19C00] =	vst v63  }
0x275: {  	v3 =	vld [tilespmem:s12+$0xFFFFFF20];
	_ =	sdelay $0x4  }
0x276: {  	v21 =	vshrl.u32 v3, $0x3  }
0x277: {  	v4 =	vmul.u32 $0x18, v21  }
0x278: {  	v3 =	vand.u32 $0x7, v3  }
0x279: {  	v3 =	vor.u32 v3, v4  }
0x27a: {  	v4 =	vperm.xlane v3, v0;
	_ =	sdelay $0x1  }
0x27b: {  	v3 =	vperm.xlane v3, v2;
	v4 =	vadd.s32 v1, v4;
	_ =	sdelay $0x1  }
0x27c: {  	v3 =	vadd.s32 v1, v3;
	_ =	sdelay $0x1  }
0x27d: {  	s16 =	simm.s32 $0x3800  }
0x27e: {  	[tilespmem:s16], [sflag:$0x1] =	stream.indirect_vreg.gather [hbm4b:s6+s3], $0x80, v4, vm0, $0xb8;
	[tilespmem:$0x19C00] =	vst v63  }
0x27f: {  	s16 =	simm.s32 $0x4400  }
0x280: {  	[tilespmem:s16], [sflag:$0x1] =	stream.indirect_vreg.gather [hbm4b:s6+s3], $0x80, v3, vm0, $0xb8;
	[tilespmem:$0x19C00] =	vst v63  }
0x281: {  	v3 =	vld [tilespmem:s12+$0xFFFFFF30];
	_ =	sdelay $0x4  }
0x282: {  	v22 =	vshrl.u32 v3, $0x3  }
0x283: {  	v4 =	vmul.u32 $0x18, v22  }
0x284: {  	v3 =	vand.u32 $0x7, v3  }
0x285: {  	v3 =	vor.u32 v3, v4  }
0x286: {  	v4 =	vperm.xlane v3, v0;
	_ =	sdelay $0x1  }
0x287: {  	v3 =	vperm.xlane v3, v2;
	v4 =	vadd.s32 v1, v4;
	_ =	sdelay $0x1  }
0x288: {  	v3 =	vadd.s32 v1, v3;
	_ =	sdelay $0x1  }
0x289: {  	s16 =	simm.s32 $0x5000  }
0x28a: {  	[tilespmem:s16], [sflag:$0x1] =	stream.indirect_vreg.gather [hbm4b:s6+s3], $0x80, v4, vm0, $0xb8;
	[tilespmem:$0x19C00] =	vst v63  }
0x28b: {  	s16 =	simm.s32 $0x5C00  }
0x28c: {  	[tilespmem:s16], [sflag:$0x1] =	stream.indirect_vreg.gather [hbm4b:s6+s3], $0x80, v3, vm0, $0xb8;
	[tilespmem:$0x19C00] =	vst v63  }
0x28d: {  	v3 =	vld [tilespmem:s12+$0xFFFFFF40];
	_ =	sdelay $0x4  }
0x28e: {  	v23 =	vshrl.u32 v3, $0x3  }
0x28f: {  	v4 =	vmul.u32 $0x18, v23  }
0x290: {  	v3 =	vand.u32 $0x7, v3  }
0x291: {  	v3 =	vor.u32 v3, v4  }
0x292: {  	v4 =	vperm.xlane v3, v0;
	_ =	sdelay $0x1  }
0x293: {  	v3 =	vperm.xlane v3, v2;
	v4 =	vadd.s32 v1, v4;
	_ =	sdelay $0x1  }
0x294: {  	v3 =	vadd.s32 v1, v3;
	_ =	sdelay $0x1  }
0x295: {  	s16 =	simm.s32 $0x6800  }
0x296: {  	[tilespmem:s16], [sflag:$0x1] =	stream.indirect_vreg.gather [hbm4b:s6+s3], $0x80, v4, vm0, $0xb8;
	[tilespmem:$0x19C00] =	vst v63  }
0x297: {  	s16 =	simm.s32 $0x7400  }
0x298: {  	[tilespmem:s16], [sflag:$0x1] =	stream.indirect_vreg.gather [hbm4b:s6+s3], $0x80, v3, vm0, $0xb8;
	[tilespmem:$0x19C00] =	vst v63  }
0x299: {  	v3 =	vld [tilespmem:s12+$0xFFFFFF10];
	_ =	sdelay $0x4  }
0x29a: {  	v24 =	vperm.xlane v3, v0;
	_ =	sdelay $0x1  }
0x29b: {  	v3 =	vperm.xlane v3, v2;
	v4 =	vadd.s32 v1, v24;
	_ =	sdelay $0x1  }
0x29c: {  	v3 =	vadd.s32 v1, v3;
	_ =	sdelay $0x1  }
0x29d: {  	s16 =	simm.s32 $0x2400  }
0x29e: {  	[tilespmem:s16], [sflag:$0x1] =	stream.indirect_vreg.gather [hbm4b:s4+s3], $0x80, v4, vm0, $0xb8;
	[tilespmem:$0x19C00] =	vst v63  }
0x29f: {  	s16 =	simm.s32 $0x3000  }
0x2a0: {  	[tilespmem:s16], [sflag:$0x1] =	stream.indirect_vreg.gather [hbm4b:s4+s3], $0x80, v3, vm0, $0xb8;
	[tilespmem:$0x19C00] =	vst v63  }
0x2a1: {  	v3 =	vld [tilespmem:s12+$0xFFFFFF20];
	_ =	sdelay $0x4  }
0x2a2: {  	v25 =	vperm.xlane v3, v0;
	_ =	sdelay $0x1  }
0x2a3: {  	v3 =	vperm.xlane v3, v2;
	v4 =	vadd.s32 v1, v25;
	_ =	sdelay $0x1  }
0x2a4: {  	v3 =	vadd.s32 v1, v3;
	_ =	sdelay $0x1  }
0x2a5: {  	s16 =	simm.s32 $0x3C00  }
0x2a6: {  	[tilespmem:s16], [sflag:$0x1] =	stream.indirect_vreg.gather [hbm4b:s4+s3], $0x80, v4, vm0, $0xb8;
	[tilespmem:$0x19C00] =	vst v63  }
0x2a7: {  	s16 =	simm.s32 $0x4800  }
0x2a8: {  	[tilespmem:s16], [sflag:$0x1] =	stream.indirect_vreg.gather [hbm4b:s4+s3], $0x80, v3, vm0, $0xb8;
	[tilespmem:$0x19C00] =	vst v63  }
0x2a9: {  	v3 =	vld [tilespmem:s12+$0xFFFFFF30];
	_ =	sdelay $0x4  }
0x2aa: {  	v26 =	vperm.xlane v3, v0;
	_ =	sdelay $0x1  }
0x2ab: {  	v3 =	vperm.xlane v3, v2;
	v4 =	vadd.s32 v1, v26;
	_ =	sdelay $0x1  }
0x2ac: {  	v3 =	vadd.s32 v1, v3;
	_ =	sdelay $0x1  }
0x2ad: {  	s16 =	simm.s32 $0x5400  }
0x2ae: {  	[tilespmem:s16], [sflag:$0x1] =	stream.indirect_vreg.gather [hbm4b:s4+s3], $0x80, v4, vm0, $0xb8;
	[tilespmem:$0x19C00] =	vst v63  }
0x2af: {  	s16 =	simm.s32 $0x6000  }
0x2b0: {  	[tilespmem:s16], [sflag:$0x1] =	stream.indirect_vreg.gather [hbm4b:s4+s3], $0x80, v3, vm0, $0xb8;
	[tilespmem:$0x19C00] =	vst v63  }
0x2b1: {  	v3 =	vld [tilespmem:s12+$0xFFFFFF40];
	_ =	sdelay $0x4  }
0x2b2: {  	v27 =	vperm.xlane v3, v0;
	_ =	sdelay $0x1  }
0x2b3: {  	v3 =	vperm.xlane v3, v2;
	v4 =	vadd.s32 v1, v27;
	_ =	sdelay $0x1  }
0x2b4: {  	v3 =	vadd.s32 v1, v3;
	_ =	sdelay $0x1  }
0x2b5: {  	s16 =	simm.s32 $0x6C00  }
0x2b6: {  	[tilespmem:s16], [sflag:$0x1] =	stream.indirect_vreg.gather [hbm4b:s4+s3], $0x80, v4, vm0, $0xb8;
	[tilespmem:$0x19C00] =	vst v63  }
0x2b7: {  	s16 =	simm.s32 $0x7800  }
0x2b8: {  	[tilespmem:s16], [sflag:$0x1] =	stream.indirect_vreg.gather [hbm4b:s4+s3], $0x80, v3, vm0, $0xb8;
	[tilespmem:$0x19C00] =	vst v63  }
0x2b9: {  	_ =	swait.ge [sflag:s0], $0x6000  }
0x2ba: {  	[sflag:s0] =	ssyncset.done $0x0  }
0x2bb: {  	[sflag:s0] =	ssyncadd.s32 $0xFFFFA000  }
0x2bc: {  	v3 =	vld [tilespmem:s12+$0xFFFFFF50];
	_ =	sdelay $0x4  }
0x2bd: {  	v28 =	vshrl.u32 v3, $0x3  }
0x2be: {  	v4 =	vmul.u32 $0x18, v28  }
0x2bf: {  	v3 =	vand.u32 $0x7, v3  }
0x2c0: {  	v3 =	vor.u32 v3, v4  }
0x2c1: {  	v4 =	vperm.xlane v3, v0;
	_ =	sdelay $0x1  }
0x2c2: {  	v3 =	vperm.xlane v3, v2;
	v4 =	vadd.s32 v1, v4;
	_ =	sdelay $0x1  }
0x2c3: {  	v3 =	vadd.s32 v1, v3;
	_ =	sdelay $0x2  }
0x2c4: {  	[tilespmem:s15], [sflag:$0x2] =	stream.indirect_vreg.gather [hbm4b:s2+s3], $0x80, v4, vm0, $0xb8;
	[tilespmem:$0x19C00] =	vst v63  }
0x2c5: {  	s16 =	simm.s32 $0x8800  }
0x2c6: {  	[tilespmem:s16], [sflag:$0x2] =	stream.indirect_vreg.gather [hbm4b:s2+s3], $0x80, v3, vm0, $0xb8;
	[tilespmem:$0x19C00] =	vst v63  }
0x2c7: {  	v3 =	vld [tilespmem:s12+$0xFFFFFF60];
	_ =	sdelay $0x4  }
0x2c8: {  	v29 =	vshrl.u32 v3, $0x3  }
0x2c9: {  	v4 =	vmul.u32 $0x18, v29  }
0x2ca: {  	v3 =	vand.u32 $0x7, v3  }
0x2cb: {  	v3 =	vor.u32 v3, v4  }
0x2cc: {  	v4 =	vperm.xlane v3, v0;
	_ =	sdelay $0x1  }
0x2cd: {  	v3 =	vperm.xlane v3, v2;
	v4 =	vadd.s32 v1, v4;
	_ =	sdelay $0x1  }
0x2ce: {  	v3 =	vadd.s32 v1, v3;
	_ =	sdelay $0x1  }
0x2cf: {  	s16 =	simm.s32 $0x9400  }
0x2d0: {  	[tilespmem:s16], [sflag:$0x2] =	stream.indirect_vreg.gather [hbm4b:s2+s3], $0x80, v4, vm0, $0xb8;
	[tilespmem:$0x19C00] =	vst v63  }
0x2d1: {  	s16 =	simm.s32 $0xA000  }
0x2d2: {  	[tilespmem:s16], [sflag:$0x2] =	stream.indirect_vreg.gather [hbm4b:s2+s3], $0x80, v3, vm0, $0xb8;
	[tilespmem:$0x19C00] =	vst v63  }
0x2d3: {  	v3 =	vld [tilespmem:s12+$0xFFFFFF70];
	_ =	sdelay $0x4  }
0x2d4: {  	v30 =	vshrl.u32 v3, $0x3  }
0x2d5: {  	v4 =	vmul.u32 $0x18, v30  }
0x2d6: {  	v3 =	vand.u32 $0x7, v3  }
0x2d7: {  	v3 =	vor.u32 v3, v4  }
0x2d8: {  	v4 =	vperm.xlane v3, v0;
	_ =	sdelay $0x1  }
0x2d9: {  	v3 =	vperm.xlane v3, v2;
	v4 =	vadd.s32 v1, v4;
	_ =	sdelay $0x1  }
0x2da: {  	v3 =	vadd.s32 v1, v3;
	_ =	sdelay $0x1  }
0x2db: {  	s16 =	simm.s32 $0xAC00  }
0x2dc: {  	[tilespmem:s16], [sflag:$0x2] =	stream.indirect_vreg.gather [hbm4b:s2+s3], $0x80, v4, vm0, $0xb8;
	[tilespmem:$0x19C00] =	vst v63  }
0x2dd: {  	s16 =	simm.s32 $0xB800  }
0x2de: {  	[tilespmem:s16], [sflag:$0x2] =	stream.indirect_vreg.gather [hbm4b:s2+s3], $0x80, v3, vm0, $0xb8;
	[tilespmem:$0x19C00] =	vst v63  }
0x2df: {  	v3 =	vld [tilespmem:s12+$0xFFFFFF80];
	_ =	sdelay $0x4  }
0x2e0: {  	v31 =	vshrl.u32 v3, $0x3  }
0x2e1: {  	v4 =	vmul.u32 $0x18, v31  }
0x2e2: {  	v3 =	vand.u32 $0x7, v3  }
0x2e3: {  	v3 =	vor.u32 v3, v4  }
0x2e4: {  	v4 =	vperm.xlane v3, v0;
	_ =	sdelay $0x1  }
0x2e5: {  	v3 =	vperm.xlane v3, v2;
	v4 =	vadd.s32 v1, v4;
	_ =	sdelay $0x1  }
0x2e6: {  	v3 =	vadd.s32 v1, v3;
	_ =	sdelay $0x1  }
0x2e7: {  	s16 =	simm.s32 $0xC400  }
0x2e8: {  	[tilespmem:s16], [sflag:$0x2] =	stream.indirect_vreg.gather [hbm4b:s2+s3], $0x80, v4, vm0, $0xb8;
	[tilespmem:$0x19C00] =	vst v63  }
0x2e9: {  	s16 =	simm.s32 $0xD000  }
0x2ea: {  	[tilespmem:s16], [sflag:$0x2] =	stream.indirect_vreg.gather [hbm4b:s2+s3], $0x80, v3, vm0, $0xb8;
	[tilespmem:$0x19C00] =	vst v63  }
0x2eb: {  	v3 =	vld [tilespmem:s12+$0xFFFFFF50];
	_ =	sdelay $0x4  }
0x2ec: {  	v32 =	vshrl.u32 v3, $0x3  }
0x2ed: {  	v4 =	vmul.u32 $0x18, v32  }
0x2ee: {  	v3 =	vand.u32 $0x7, v3  }
0x2ef: {  	v3 =	vor.u32 v3, v4  }
0x2f0: {  	v4 =	vperm.xlane v3, v0;
	_ =	sdelay $0x1  }
0x2f1: {  	v3 =	vperm.xlane v3, v2;
	v4 =	vadd.s32 v1, v4;
	_ =	sdelay $0x1  }
0x2f2: {  	v3 =	vadd.s32 v1, v3;
	_ =	sdelay $0x1  }
0x2f3: {  	s16 =	simm.s32 $0x8000  }
0x2f4: {  	[tilespmem:s16], [sflag:$0x2] =	stream.indirect_vreg.gather [hbm4b:s6+s3], $0x80, v4, vm0, $0xb8;
	[tilespmem:$0x19C00] =	vst v63  }
0x2f5: {  	s16 =	simm.s32 $0x8C00  }
0x2f6: {  	[tilespmem:s16], [sflag:$0x2] =	stream.indirect_vreg.gather [hbm4b:s6+s3], $0x80, v3, vm0, $0xb8;
	[tilespmem:$0x19C00] =	vst v63  }
0x2f7: {  	v3 =	vld [tilespmem:s12+$0xFFFFFF60];
	_ =	sdelay $0x4  }
0x2f8: {  	v33 =	vshrl.u32 v3, $0x3  }
0x2f9: {  	v4 =	vmul.u32 $0x18, v33  }
0x2fa: {  	v3 =	vand.u32 $0x7, v3  }
0x2fb: {  	v3 =	vor.u32 v3, v4  }
0x2fc: {  	v4 =	vperm.xlane v3, v0;
	_ =	sdelay $0x1  }
0x2fd: {  	v3 =	vperm.xlane v3, v2;
	v4 =	vadd.s32 v1, v4;
	_ =	sdelay $0x1  }
0x2fe: {  	v3 =	vadd.s32 v1, v3;
	_ =	sdelay $0x1  }
0x2ff: {  	s16 =	simm.s32 $0x9800  }
0x300: {  	[tilespmem:s16], [sflag:$0x2] =	stream.indirect_vreg.gather [hbm4b:s6+s3], $0x80, v4, vm0, $0xb8;
	[tilespmem:$0x19C00] =	vst v63  }
0x301: {  	s16 =	simm.s32 $0xA400  }
0x302: {  	[tilespmem:s16], [sflag:$0x2] =	stream.indirect_vreg.gather [hbm4b:s6+s3], $0x80, v3, vm0, $0xb8;
	[tilespmem:$0x19C00] =	vst v63  }
0x303: {  	v3 =	vld [tilespmem:s12+$0xFFFFFF70];
	_ =	sdelay $0x4  }
0x304: {  	v34 =	vshrl.u32 v3, $0x3  }
0x305: {  	v4 =	vmul.u32 $0x18, v34  }
0x306: {  	v3 =	vand.u32 $0x7, v3  }
0x307: {  	v3 =	vor.u32 v3, v4  }
0x308: {  	v4 =	vperm.xlane v3, v0;
	_ =	sdelay $0x1  }
0x309: {  	v3 =	vperm.xlane v3, v2;
	v4 =	vadd.s32 v1, v4;
	_ =	sdelay $0x1  }
0x30a: {  	v3 =	vadd.s32 v1, v3;
	_ =	sdelay $0x1  }
0x30b: {  	s16 =	simm.s32 $0xB000  }
0x30c: {  	[tilespmem:s16], [sflag:$0x2] =	stream.indirect_vreg.gather [hbm4b:s6+s3], $0x80, v4, vm0, $0xb8;
	[tilespmem:$0x19C00] =	vst v63  }
0x30d: {  	s16 =	simm.s32 $0xBC00  }
0x30e: {  	[tilespmem:s16], [sflag:$0x2] =	stream.indirect_vreg.gather [hbm4b:s6+s3], $0x80, v3, vm0, $0xb8;
	[tilespmem:$0x19C00] =	vst v63  }
0x30f: {  	v3 =	vld [tilespmem:s12+$0xFFFFFF80];
	_ =	sdelay $0x4  }
0x310: {  	v35 =	vshrl.u32 v3, $0x3  }
0x311: {  	v4 =	vmul.u32 $0x18, v35  }
0x312: {  	v3 =	vand.u32 $0x7, v3  }
0x313: {  	v3 =	vor.u32 v3, v4  }
0x314: {  	v4 =	vperm.xlane v3, v0;
	_ =	sdelay $0x1  }
0x315: {  	v3 =	vperm.xlane v3, v2;
	v4 =	vadd.s32 v1, v4;
	_ =	sdelay $0x1  }
0x316: {  	v3 =	vadd.s32 v1, v3;
	_ =	sdelay $0x1  }
0x317: {  	s16 =	simm.s32 $0xC800  }
0x318: {  	[tilespmem:s16], [sflag:$0x2] =	stream.indirect_vreg.gather [hbm4b:s6+s3], $0x80, v4, vm0, $0xb8;
	[tilespmem:$0x19C00] =	vst v63  }
0x319: {  	s16 =	simm.s32 $0xD400  }
0x31a: {  	[tilespmem:s16], [sflag:$0x2] =	stream.indirect_vreg.gather [hbm4b:s6+s3], $0x80, v3, vm0, $0xb8;
	[tilespmem:$0x19C00] =	vst v63  }
0x31b: {  	v3 =	vld [tilespmem:s12+$0xFFFFFF50];
	_ =	sdelay $0x4  }
0x31c: {  	v36 =	vperm.xlane v3, v0;
	_ =	sdelay $0x1  }
0x31d: {  	v3 =	vperm.xlane v3, v2;
	v4 =	vadd.s32 v1, v36;
	_ =	sdelay $0x1  }
0x31e: {  	v3 =	vadd.s32 v1, v3;
	_ =	sdelay $0x1  }
0x31f: {  	s16 =	simm.s32 $0x8400  }
0x320: {  	[tilespmem:s16], [sflag:$0x2] =	stream.indirect_vreg.gather [hbm4b:s4+s3], $0x80, v4, vm0, $0xb8;
	[tilespmem:$0x19C00] =	vst v63  }
0x321: {  	s16 =	simm.s32 $0x9000  }
0x322: {  	[tilespmem:s16], [sflag:$0x2] =	stream.indirect_vreg.gather [hbm4b:s4+s3], $0x80, v3, vm0, $0xb8;
	[tilespmem:$0x19C00] =	vst v63  }
0x323: {  	v3 =	vld [tilespmem:s12+$0xFFFFFF60];
	_ =	sdelay $0x4  }
0x324: {  	v37 =	vperm.xlane v3, v0;
	_ =	sdelay $0x1  }
0x325: {  	v3 =	vperm.xlane v3, v2;
	v4 =	vadd.s32 v1, v37;
	_ =	sdelay $0x1  }
0x326: {  	v3 =	vadd.s32 v1, v3;
	_ =	sdelay $0x1  }
0x327: {  	s16 =	simm.s32 $0x9C00  }
0x328: {  	[tilespmem:s16], [sflag:$0x2] =	stream.indirect_vreg.gather [hbm4b:s4+s3], $0x80, v4, vm0, $0xb8;
	[tilespmem:$0x19C00] =	vst v63  }
0x329: {  	s16 =	simm.s32 $0xA800  }
0x32a: {  	[tilespmem:s16], [sflag:$0x2] =	stream.indirect_vreg.gather [hbm4b:s4+s3], $0x80, v3, vm0, $0xb8;
	[tilespmem:$0x19C00] =	vst v63  }
0x32b: {  	v3 =	vld [tilespmem:s12+$0xFFFFFF70];
	_ =	sdelay $0x4  }
0x32c: {  	v38 =	vperm.xlane v3, v0;
	_ =	sdelay $0x1  }
0x32d: {  	v3 =	vperm.xlane v3, v2;
	v4 =	vadd.s32 v1, v38;
	_ =	sdelay $0x1  }
0x32e: {  	v3 =	vadd.s32 v1, v3;
	_ =	sdelay $0x1  }
0x32f: {  	s16 =	simm.s32 $0xB400  }
0x330: {  	[tilespmem:s16], [sflag:$0x2] =	stream.indirect_vreg.gather [hbm4b:s4+s3], $0x80, v4, vm0, $0xb8;
	[tilespmem:$0x19C00] =	vst v63  }
0x331: {  	s16 =	simm.s32 $0xC000  }
0x332: {  	[tilespmem:s16], [sflag:$0x2] =	stream.indirect_vreg.gather [hbm4b:s4+s3], $0x80, v3, vm0, $0xb8;
	[tilespmem:$0x19C00] =	vst v63  }
0x333: {  	v3 =	vld [tilespmem:s12+$0xFFFFFF80];
	_ =	sdelay $0x4  }
0x334: {  	v39 =	vperm.xlane v3, v0;
	_ =	sdelay $0x1  }
0x335: {  	v3 =	vperm.xlane v3, v2;
	v4 =	vadd.s32 v1, v39;
	_ =	sdelay $0x1  }
0x336: {  	v3 =	vadd.s32 v1, v3;
	_ =	sdelay $0x1  }
0x337: {  	s16 =	simm.s32 $0xCC00  }
0x338: {  	[tilespmem:s16], [sflag:$0x2] =	stream.indirect_vreg.gather [hbm4b:s4+s3], $0x80, v4, vm0, $0xb8;
	[tilespmem:$0x19C00] =	vst v63  }
0x339: {  	s16 =	simm.s32 $0xD800  }
0x33a: {  	[tilespmem:s16], [sflag:$0x2] =	stream.indirect_vreg.gather [hbm4b:s4+s3], $0x80, v3, vm0, $0xb8;
	[tilespmem:$0x19C00] =	vst v63  }
0x33b: {  	_ =	swait.ge [sflag:s5], $0x6000  }
0x33c: {  	[sflag:s5] =	ssyncset.done $0x0  }
0x33d: {  	[sflag:s5] =	ssyncadd.s32 $0xFFFFA000  }
0x33e: {  	v3 =	vld [tilespmem:s12+$0xFFFFFF90];
	_ =	sdelay $0x4  }
0x33f: {  	v40 =	vshrl.u32 v3, $0x3  }
0x340: {  	v4 =	vmul.u32 $0x18, v40  }
0x341: {  	v3 =	vand.u32 $0x7, v3  }
0x342: {  	v3 =	vor.u32 v3, v4  }
0x343: {  	v4 =	vperm.xlane v3, v0;
	_ =	sdelay $0x1  }
0x344: {  	v3 =	vperm.xlane v3, v2;
	v4 =	vadd.s32 v1, v4;
	_ =	sdelay $0x1  }
0x345: {  	v3 =	vadd.s32 v1, v3;
	_ =	sdelay $0x2  }
0x346: {  	[tilespmem:s18], [sflag:$0x3] =	stream.indirect_vreg.gather [hbm4b:s2+s3], $0x80, v4, vm0, $0xb8;
	[tilespmem:$0x19C00] =	vst v63  }
0x347: {  	s16 =	simm.s32 $0xE800  }
0x348: {  	[tilespmem:s16], [sflag:$0x3] =	stream.indirect_vreg.gather [hbm4b:s2+s3], $0x80, v3, vm0, $0xb8;
	[tilespmem:$0x19C00] =	vst v63  }
0x349: {  	v3 =	vld [tilespmem:s12+$0xFFFFFFA0];
	_ =	sdelay $0x4  }
0x34a: {  	v41 =	vshrl.u32 v3, $0x3  }
0x34b: {  	v4 =	vmul.u32 $0x18, v41  }
0x34c: {  	v3 =	vand.u32 $0x7, v3  }
0x34d: {  	v3 =	vor.u32 v3, v4  }
0x34e: {  	v4 =	vperm.xlane v3, v0;
	_ =	sdelay $0x1  }
0x34f: {  	v3 =	vperm.xlane v3, v2;
	v4 =	vadd.s32 v1, v4;
	_ =	sdelay $0x1  }
0x350: {  	v3 =	vadd.s32 v1, v3;
	_ =	sdelay $0x1  }
0x351: {  	s16 =	simm.s32 $0xF400  }
0x352: {  	[tilespmem:s16], [sflag:$0x3] =	stream.indirect_vreg.gather [hbm4b:s2+s3], $0x80, v4, vm0, $0xb8;
	[tilespmem:$0x19C00] =	vst v63  }
0x353: {  	s16 =	simm.s32 $0x10000  }
0x354: {  	[tilespmem:s16], [sflag:$0x3] =	stream.indirect_vreg.gather [hbm4b:s2+s3], $0x80, v3, vm0, $0xb8;
	[tilespmem:$0x19C00] =	vst v63  }
0x355: {  	v3 =	vld [tilespmem:s12+$0xFFFFFFB0];
	_ =	sdelay $0x4  }
0x356: {  	v42 =	vshrl.u32 v3, $0x3  }
0x357: {  	v4 =	vmul.u32 $0x18, v42  }
0x358: {  	v3 =	vand.u32 $0x7, v3  }
0x359: {  	v3 =	vor.u32 v3, v4  }
0x35a: {  	v4 =	vperm.xlane v3, v0;
	_ =	sdelay $0x1  }
0x35b: {  	v3 =	vperm.xlane v3, v2;
	v4 =	vadd.s32 v1, v4;
	_ =	sdelay $0x1  }
0x35c: {  	v3 =	vadd.s32 v1, v3;
	_ =	sdelay $0x1  }
0x35d: {  	s16 =	simm.s32 $0x10C00  }
0x35e: {  	[tilespmem:s16], [sflag:$0x3] =	stream.indirect_vreg.gather [hbm4b:s2+s3], $0x80, v4, vm0, $0xb8;
	[tilespmem:$0x19C00] =	vst v63  }
0x35f: {  	s16 =	simm.s32 $0x11800  }
0x360: {  	[tilespmem:s16], [sflag:$0x3] =	stream.indirect_vreg.gather [hbm4b:s2+s3], $0x80, v3, vm0, $0xb8;
	[tilespmem:$0x19C00] =	vst v63  }
0x361: {  	v3 =	vld [tilespmem:s12+$0xFFFFFFC0];
	_ =	sdelay $0x4  }
0x362: {  	v43 =	vshrl.u32 v3, $0x3  }
0x363: {  	v4 =	vmul.u32 $0x18, v43  }
0x364: {  	v3 =	vand.u32 $0x7, v3  }
0x365: {  	v3 =	vor.u32 v3, v4  }
0x366: {  	v4 =	vperm.xlane v3, v0;
	_ =	sdelay $0x1  }
0x367: {  	v3 =	vperm.xlane v3, v2;
	v4 =	vadd.s32 v1, v4;
	_ =	sdelay $0x1  }
0x368: {  	v3 =	vadd.s32 v1, v3;
	_ =	sdelay $0x1  }
0x369: {  	s16 =	simm.s32 $0x12400  }
0x36a: {  	[tilespmem:s16], [sflag:$0x3] =	stream.indirect_vreg.gather [hbm4b:s2+s3], $0x80, v4, vm0, $0xb8;
	[tilespmem:$0x19C00] =	vst v63  }
0x36b: {  	s16 =	simm.s32 $0x13000  }
0x36c: {  	[tilespmem:s16], [sflag:$0x3] =	stream.indirect_vreg.gather [hbm4b:s2+s3], $0x80, v3, vm0, $0xb8;
	[tilespmem:$0x19C00] =	vst v63  }
0x36d: {  	v3 =	vld [tilespmem:s12+$0xFFFFFF90];
	_ =	sdelay $0x4  }
0x36e: {  	v44 =	vshrl.u32 v3, $0x3  }
0x36f: {  	v4 =	vmul.u32 $0x18, v44  }
0x370: {  	v3 =	vand.u32 $0x7, v3  }
0x371: {  	v3 =	vor.u32 v3, v4  }
0x372: {  	v4 =	vperm.xlane v3, v0;
	_ =	sdelay $0x1  }
0x373: {  	v3 =	vperm.xlane v3, v2;
	v4 =	vadd.s32 v1, v4;
	_ =	sdelay $0x1  }
0x374: {  	v3 =	vadd.s32 v1, v3;
	_ =	sdelay $0x1  }
0x375: {  	s16 =	simm.s32 $0xE000  }
0x376: {  	[tilespmem:s16], [sflag:$0x3] =	stream.indirect_vreg.gather [hbm4b:s6+s3], $0x80, v4, vm0, $0xb8;
	[tilespmem:$0x19C00] =	vst v63  }
0x377: {  	s16 =	simm.s32 $0xEC00  }
0x378: {  	[tilespmem:s16], [sflag:$0x3] =	stream.indirect_vreg.gather [hbm4b:s6+s3], $0x80, v3, vm0, $0xb8;
	[tilespmem:$0x19C00] =	vst v63  }
0x379: {  	v3 =	vld [tilespmem:s12+$0xFFFFFFA0];
	_ =	sdelay $0x4  }
0x37a: {  	v45 =	vshrl.u32 v3, $0x3  }
0x37b: {  	v4 =	vmul.u32 $0x18, v45  }
0x37c: {  	v3 =	vand.u32 $0x7, v3  }
0x37d: {  	v3 =	vor.u32 v3, v4  }
0x37e: {  	v4 =	vperm.xlane v3, v0;
	_ =	sdelay $0x1  }
0x37f: {  	v3 =	vperm.xlane v3, v2;
	v4 =	vadd.s32 v1, v4;
	_ =	sdelay $0x1  }
0x380: {  	v3 =	vadd.s32 v1, v3;
	_ =	sdelay $0x1  }
0x381: {  	s16 =	simm.s32 $0xF800  }
0x382: {  	[tilespmem:s16], [sflag:$0x3] =	stream.indirect_vreg.gather [hbm4b:s6+s3], $0x80, v4, vm0, $0xb8;
	[tilespmem:$0x19C00] =	vst v63  }
0x383: {  	s16 =	simm.s32 $0x10400  }
0x384: {  	[tilespmem:s16], [sflag:$0x3] =	stream.indirect_vreg.gather [hbm4b:s6+s3], $0x80, v3, vm0, $0xb8;
	[tilespmem:$0x19C00] =	vst v63  }
0x385: {  	v3 =	vld [tilespmem:s12+$0xFFFFFFB0];
	_ =	sdelay $0x4  }
0x386: {  	v46 =	vshrl.u32 v3, $0x3  }
0x387: {  	v4 =	vmul.u32 $0x18, v46  }
0x388: {  	v3 =	vand.u32 $0x7, v3  }
0x389: {  	v3 =	vor.u32 v3, v4  }
0x38a: {  	v4 =	vperm.xlane v3, v0;
	_ =	sdelay $0x1  }
0x38b: {  	v3 =	vperm.xlane v3, v2;
	v4 =	vadd.s32 v1, v4;
	_ =	sdelay $0x1  }
0x38c: {  	v3 =	vadd.s32 v1, v3;
	_ =	sdelay $0x1  }
0x38d: {  	s16 =	simm.s32 $0x11000  }
0x38e: {  	[tilespmem:s16], [sflag:$0x3] =	stream.indirect_vreg.gather [hbm4b:s6+s3], $0x80, v4, vm0, $0xb8;
	[tilespmem:$0x19C00] =	vst v63  }
0x38f: {  	s16 =	simm.s32 $0x11C00  }
0x390: {  	[tilespmem:s16], [sflag:$0x3] =	stream.indirect_vreg.gather [hbm4b:s6+s3], $0x80, v3, vm0, $0xb8;
	[tilespmem:$0x19C00] =	vst v63  }
0x391: {  	v3 =	vld [tilespmem:s12+$0xFFFFFFC0];
	_ =	sdelay $0x4  }
0x392: {  	v47 =	vshrl.u32 v3, $0x3  }
0x393: {  	v4 =	vmul.u32 $0x18, v47  }
0x394: {  	v3 =	vand.u32 $0x7, v3  }
0x395: {  	v3 =	vor.u32 v3, v4  }
0x396: {  	v4 =	vperm.xlane v3, v0;
	_ =	sdelay $0x1  }
0x397: {  	v3 =	vperm.xlane v3, v2;
	v4 =	vadd.s32 v1, v4;
	_ =	sdelay $0x1  }
0x398: {  	v3 =	vadd.s32 v1, v3;
	_ =	sdelay $0x1  }
0x399: {  	s16 =	simm.s32 $0x12800  }
0x39a: {  	[tilespmem:s16], [sflag:$0x3] =	stream.indirect_vreg.gather [hbm4b:s6+s3], $0x80, v4, vm0, $0xb8;
	[tilespmem:$0x19C00] =	vst v63  }
0x39b: {  	s16 =	simm.s32 $0x13400  }
0x39c: {  	[tilespmem:s16], [sflag:$0x3] =	stream.indirect_vreg.gather [hbm4b:s6+s3], $0x80, v3, vm0, $0xb8;
	[tilespmem:$0x19C00] =	vst v63  }
0x39d: {  	v3 =	vld [tilespmem:s12+$0xFFFFFF90];
	_ =	sdelay $0x4  }
0x39e: {  	v48 =	vperm.xlane v3, v0;
	_ =	sdelay $0x1  }
0x39f: {  	v3 =	vperm.xlane v3, v2;
	v4 =	vadd.s32 v1, v48;
	_ =	sdelay $0x1  }
0x3a0: {  	v3 =	vadd.s32 v1, v3;
	_ =	sdelay $0x1  }
0x3a1: {  	s16 =	simm.s32 $0xE400  }
0x3a2: {  	[tilespmem:s16], [sflag:$0x3] =	stream.indirect_vreg.gather [hbm4b:s4+s3], $0x80, v4, vm0, $0xb8;
	[tilespmem:$0x19C00] =	vst v63  }
0x3a3: {  	s16 =	simm.s32 $0xF000  }
0x3a4: {  	[tilespmem:s16], [sflag:$0x3] =	stream.indirect_vreg.gather [hbm4b:s4+s3], $0x80, v3, vm0, $0xb8;
	[tilespmem:$0x19C00] =	vst v63  }
0x3a5: {  	v3 =	vld [tilespmem:s12+$0xFFFFFFA0];
	_ =	sdelay $0x4  }
0x3a6: {  	v49 =	vperm.xlane v3, v0;
	_ =	sdelay $0x1  }
0x3a7: {  	v3 =	vperm.xlane v3, v2;
	v4 =	vadd.s32 v1, v49;
	_ =	sdelay $0x1  }
0x3a8: {  	v3 =	vadd.s32 v1, v3;
	_ =	sdelay $0x1  }
0x3a9: {  	s16 =	simm.s32 $0xFC00  }
0x3aa: {  	[tilespmem:s16], [sflag:$0x3] =	stream.indirect_vreg.gather [hbm4b:s4+s3], $0x80, v4, vm0, $0xb8;
	[tilespmem:$0x19C00] =	vst v63  }
0x3ab: {  	s16 =	simm.s32 $0x10800  }
0x3ac: {  	[tilespmem:s16], [sflag:$0x3] =	stream.indirect_vreg.gather [hbm4b:s4+s3], $0x80, v3, vm0, $0xb8;
	[tilespmem:$0x19C00] =	vst v63  }
0x3ad: {  	v3 =	vld [tilespmem:s12+$0xFFFFFFB0];
	_ =	sdelay $0x4  }
0x3ae: {  	v50 =	vperm.xlane v3, v0;
	_ =	sdelay $0x1  }
0x3af: {  	v3 =	vperm.xlane v3, v2;
	v4 =	vadd.s32 v1, v50;
	_ =	sdelay $0x1  }
0x3b0: {  	v3 =	vadd.s32 v1, v3;
	_ =	sdelay $0x1  }
0x3b1: {  	s16 =	simm.s32 $0x11400  }
0x3b2: {  	[tilespmem:s16], [sflag:$0x3] =	stream.indirect_vreg.gather [hbm4b:s4+s3], $0x80, v4, vm0, $0xb8;
	[tilespmem:$0x19C00] =	vst v63  }
0x3b3: {  	s16 =	simm.s32 $0x12000  }
0x3b4: {  	[tilespmem:s16], [sflag:$0x3] =	stream.indirect_vreg.gather [hbm4b:s4+s3], $0x80, v3, vm0, $0xb8;
	[tilespmem:$0x19C00] =	vst v63  }
0x3b5: {  	v3 =	vld [tilespmem:s12+$0xFFFFFFC0];
	_ =	sdelay $0x4  }
0x3b6: {  	v51 =	vperm.xlane v3, v0;
	_ =	sdelay $0x1  }
0x3b7: {  	v3 =	vperm.xlane v3, v2;
	v4 =	vadd.s32 v1, v51;
	_ =	sdelay $0x1  }
0x3b8: {  	v3 =	vadd.s32 v1, v3;
	_ =	sdelay $0x1  }
0x3b9: {  	s16 =	simm.s32 $0x12C00  }
0x3ba: {  	[tilespmem:s16], [sflag:$0x3] =	stream.indirect_vreg.gather [hbm4b:s4+s3], $0x80, v4, vm0, $0xb8;
	[tilespmem:$0x19C00] =	vst v63  }
0x3bb: {  	s16 =	simm.s32 $0x13800  }
0x3bc: {  	[tilespmem:s16], [sflag:$0x3] =	stream.indirect_vreg.gather [hbm4b:s4+s3], $0x80, v3, vm0, $0xb8;
	[tilespmem:$0x19C00] =	vst v63  }
0x3bd: {  	_ =	swait.ge [sflag:s7], $0x6000  }
0x3be: {  	[sflag:s7] =	ssyncset.done $0x0  }
0x3bf: {  	[sflag:s7] =	ssyncadd.s32 $0xFFFFA000  }
0x3c0: {  	v3 =	vld [tilespmem:s12+$0xFFFFFFD0];
	_ =	sdelay $0x4  }
0x3c1: {  	v52 =	vshrl.u32 v3, $0x3  }
0x3c2: {  	v4 =	vmul.u32 $0x18, v52  }
0x3c3: {  	v3 =	vand.u32 $0x7, v3  }
0x3c4: {  	v3 =	vor.u32 v3, v4  }
0x3c5: {  	v4 =	vperm.xlane v3, v0;
	_ =	sdelay $0x1  }
0x3c6: {  	v3 =	vperm.xlane v3, v2;
	v4 =	vadd.s32 v1, v4;
	_ =	sdelay $0x1  }
0x3c7: {  	v3 =	vadd.s32 v1, v3;
	_ =	sdelay $0x2  }
0x3c8: {  	[tilespmem:s22], [sflag:$0x4] =	stream.indirect_vreg.gather [hbm4b:s2+s3], $0x80, v4, vm0, $0xb8;
	[tilespmem:$0x19C00] =	vst v63  }
0x3c9: {  	s16 =	simm.s32 $0x14800  }
0x3ca: {  	[tilespmem:s16], [sflag:$0x4] =	stream.indirect_vreg.gather [hbm4b:s2+s3], $0x80, v3, vm0, $0xb8;
	[tilespmem:$0x19C00] =	vst v63  }
0x3cb: {  	v3 =	vld [tilespmem:s12+$0xFFFFFFE0];
	_ =	sdelay $0x4  }
0x3cc: {  	v53 =	vshrl.u32 v3, $0x3  }
0x3cd: {  	v4 =	vmul.u32 $0x18, v53  }
0x3ce: {  	v3 =	vand.u32 $0x7, v3  }
0x3cf: {  	v3 =	vor.u32 v3, v4  }
0x3d0: {  	v4 =	vperm.xlane v3, v0;
	_ =	sdelay $0x1  }
0x3d1: {  	v3 =	vperm.xlane v3, v2;
	v4 =	vadd.s32 v1, v4;
	_ =	sdelay $0x1  }
0x3d2: {  	v3 =	vadd.s32 v1, v3;
	_ =	sdelay $0x1  }
0x3d3: {  	s16 =	simm.s32 $0x15400  }
0x3d4: {  	[tilespmem:s16], [sflag:$0x4] =	stream.indirect_vreg.gather [hbm4b:s2+s3], $0x80, v4, vm0, $0xb8;
	[tilespmem:$0x19C00] =	vst v63  }
0x3d5: {  	s16 =	simm.s32 $0x16000  }
0x3d6: {  	[tilespmem:s16], [sflag:$0x4] =	stream.indirect_vreg.gather [hbm4b:s2+s3], $0x80, v3, vm0, $0xb8;
	[tilespmem:$0x19C00] =	vst v63  }
0x3d7: {  	v3 =	vld [tilespmem:s12+$0xFFFFFFF0];
	_ =	sdelay $0x4  }
0x3d8: {  	v54 =	vshrl.u32 v3, $0x3  }
0x3d9: {  	v4 =	vmul.u32 $0x18, v54  }
0x3da: {  	v3 =	vand.u32 $0x7, v3  }
0x3db: {  	v3 =	vor.u32 v3, v4  }
0x3dc: {  	v4 =	vperm.xlane v3, v0;
	_ =	sdelay $0x1  }
0x3dd: {  	v3 =	vperm.xlane v3, v2;
	v4 =	vadd.s32 v1, v4;
	_ =	sdelay $0x1  }
0x3de: {  	v3 =	vadd.s32 v1, v3;
	_ =	sdelay $0x1  }
0x3df: {  	s16 =	simm.s32 $0x16C00  }
0x3e0: {  	[tilespmem:s16], [sflag:$0x4] =	stream.indirect_vreg.gather [hbm4b:s2+s3], $0x80, v4, vm0, $0xb8;
	[tilespmem:$0x19C00] =	vst v63  }
0x3e1: {  	s16 =	simm.s32 $0x17800  }
0x3e2: {  	[tilespmem:s16], [sflag:$0x4] =	stream.indirect_vreg.gather [hbm4b:s2+s3], $0x80, v3, vm0, $0xb8;
	[tilespmem:$0x19C00] =	vst v63  }
0x3e3: {  	v3 =	vld [tilespmem:s12+$0x0];
	_ =	sdelay $0x4  }
0x3e4: {  	v55 =	vshrl.u32 v3, $0x3  }
0x3e5: {  	v4 =	vmul.u32 $0x18, v55  }
0x3e6: {  	v3 =	vand.u32 $0x7, v3  }
0x3e7: {  	v3 =	vor.u32 v3, v4  }
0x3e8: {  	v4 =	vperm.xlane v3, v0;
	_ =	sdelay $0x1  }
0x3e9: {  	v3 =	vperm.xlane v3, v2;
	v4 =	vadd.s32 v1, v4;
	_ =	sdelay $0x1  }
0x3ea: {  	v3 =	vadd.s32 v1, v3;
	_ =	sdelay $0x1  }
0x3eb: {  	s16 =	simm.s32 $0x18400  }
0x3ec: {  	[tilespmem:s16], [sflag:$0x4] =	stream.indirect_vreg.gather [hbm4b:s2+s3], $0x80, v4, vm0, $0xb8;
	[tilespmem:$0x19C00] =	vst v63  }
0x3ed: {  	s16 =	simm.s32 $0x19000  }
0x3ee: {  	[tilespmem:s16], [sflag:$0x4] =	stream.indirect_vreg.gather [hbm4b:s2+s3], $0x80, v3, vm0, $0xb8;
	[tilespmem:$0x19C00] =	vst v63  }
0x3ef: {  	v3 =	vld [tilespmem:s12+$0xFFFFFFD0];
	_ =	sdelay $0x4  }
0x3f0: {  	v56 =	vshrl.u32 v3, $0x3  }
0x3f1: {  	v4 =	vmul.u32 $0x18, v56  }
0x3f2: {  	v3 =	vand.u32 $0x7, v3  }
0x3f3: {  	v3 =	vor.u32 v3, v4  }
0x3f4: {  	v4 =	vperm.xlane v3, v0;
	_ =	sdelay $0x1  }
0x3f5: {  	v3 =	vperm.xlane v3, v2;
	v4 =	vadd.s32 v1, v4;
	_ =	sdelay $0x1  }
0x3f6: {  	v3 =	vadd.s32 v1, v3;
	_ =	sdelay $0x1  }
0x3f7: {  	s16 =	simm.s32 $0x14000  }
0x3f8: {  	[tilespmem:s16], [sflag:$0x4] =	stream.indirect_vreg.gather [hbm4b:s6+s3], $0x80, v4, vm0, $0xb8;
	[tilespmem:$0x19C00] =	vst v63  }
0x3f9: {  	s16 =	simm.s32 $0x14C00  }
0x3fa: {  	[tilespmem:s16], [sflag:$0x4] =	stream.indirect_vreg.gather [hbm4b:s6+s3], $0x80, v3, vm0, $0xb8;
	[tilespmem:$0x19C00] =	vst v63  }
0x3fb: {  	v3 =	vld [tilespmem:s12+$0xFFFFFFE0];
	_ =	sdelay $0x4  }
0x3fc: {  	v57 =	vshrl.u32 v3, $0x3  }
0x3fd: {  	v4 =	vmul.u32 $0x18, v57  }
0x3fe: {  	v3 =	vand.u32 $0x7, v3  }
0x3ff: {  	v3 =	vor.u32 v3, v4  }
0x400: {  	v4 =	vperm.xlane v3, v0;
	_ =	sdelay $0x1  }
0x401: {  	v3 =	vperm.xlane v3, v2;
	v4 =	vadd.s32 v1, v4;
	_ =	sdelay $0x1  }
0x402: {  	v3 =	vadd.s32 v1, v3;
	_ =	sdelay $0x1  }
0x403: {  	s16 =	simm.s32 $0x15800  }
0x404: {  	[tilespmem:s16], [sflag:$0x4] =	stream.indirect_vreg.gather [hbm4b:s6+s3], $0x80, v4, vm0, $0xb8;
	[tilespmem:$0x19C00] =	vst v63  }
0x405: {  	s16 =	simm.s32 $0x16400  }
0x406: {  	[tilespmem:s16], [sflag:$0x4] =	stream.indirect_vreg.gather [hbm4b:s6+s3], $0x80, v3, vm0, $0xb8;
	[tilespmem:$0x19C00] =	vst v63  }
0x407: {  	v3 =	vld [tilespmem:s12+$0xFFFFFFF0];
	_ =	sdelay $0x4  }
0x408: {  	v58 =	vshrl.u32 v3, $0x3  }
0x409: {  	v4 =	vmul.u32 $0x18, v58  }
0x40a: {  	v3 =	vand.u32 $0x7, v3  }
0x40b: {  	v3 =	vor.u32 v3, v4  }
0x40c: {  	v4 =	vperm.xlane v3, v0;
	_ =	sdelay $0x1  }
0x40d: {  	v3 =	vperm.xlane v3, v2;
	v4 =	vadd.s32 v1, v4;
	_ =	sdelay $0x1  }
0x40e: {  	v3 =	vadd.s32 v1, v3;
	_ =	sdelay $0x1  }
0x40f: {  	s16 =	simm.s32 $0x17000  }
0x410: {  	[tilespmem:s16], [sflag:$0x4] =	stream.indirect_vreg.gather [hbm4b:s6+s3], $0x80, v4, vm0, $0xb8;
	[tilespmem:$0x19C00] =	vst v63  }
0x411: {  	s16 =	simm.s32 $0x17C00  }
0x412: {  	[tilespmem:s16], [sflag:$0x4] =	stream.indirect_vreg.gather [hbm4b:s6+s3], $0x80, v3, vm0, $0xb8;
	[tilespmem:$0x19C00] =	vst v63  }
0x413: {  	v3 =	vld [tilespmem:s12+$0x0];
	_ =	sdelay $0x4  }
0x414: {  	v59 =	vshrl.u32 v3, $0x3  }
0x415: {  	v4 =	vmul.u32 $0x18, v59  }
0x416: {  	v3 =	vand.u32 $0x7, v3  }
0x417: {  	v3 =	vor.u32 v3, v4  }
0x418: {  	v4 =	vperm.xlane v3, v0;
	_ =	sdelay $0x1  }
0x419: {  	v3 =	vperm.xlane v3, v2;
	v4 =	vadd.s32 v1, v4;
	_ =	sdelay $0x1  }
0x41a: {  	v3 =	vadd.s32 v1, v3;
	_ =	sdelay $0x1  }
0x41b: {  	s16 =	simm.s32 $0x18800  }
0x41c: {  	[tilespmem:s16], [sflag:$0x4] =	stream.indirect_vreg.gather [hbm4b:s6+s3], $0x80, v4, vm0, $0xb8;
	[tilespmem:$0x19C00] =	vst v63  }
0x41d: {  	s16 =	simm.s32 $0x19400  }
0x41e: {  	[tilespmem:s16], [sflag:$0x4] =	stream.indirect_vreg.gather [hbm4b:s6+s3], $0x80, v3, vm0, $0xb8;
	[tilespmem:$0x19C00] =	vst v63  }
0x41f: {  	v3 =	vld [tilespmem:s12+$0xFFFFFFD0];
	_ =	sdelay $0x4  }
0x420: {  	v60 =	vperm.xlane v3, v0;
	_ =	sdelay $0x1  }
0x421: {  	v3 =	vperm.xlane v3, v2;
	v4 =	vadd.s32 v1, v60;
	_ =	sdelay $0x1  }
0x422: {  	v3 =	vadd.s32 v1, v3;
	_ =	sdelay $0x2  }
0x423: {  	[tilespmem:s17], [sflag:$0x4] =	stream.indirect_vreg.gather [hbm4b:s4+s3], $0x80, v4, vm0, $0xb8;
	[tilespmem:$0x19C00] =	vst v63  }
0x424: {  	_ = 	snop  }
0x425: {  	[tilespmem:s19], [sflag:$0x4] =	stream.indirect_vreg.gather [hbm4b:s4+s3], $0x80, v3, vm0, $0xb8;
	[tilespmem:$0x19C00] =	vst v63  }
0x426: {  	v3 =	vld [tilespmem:s12+$0xFFFFFFE0];
	_ =	sdelay $0x4  }
0x427: {  	v61 =	vperm.xlane v3, v0;
	_ =	sdelay $0x1  }
0x428: {  	v3 =	vperm.xlane v3, v2;
	v4 =	vadd.s32 v1, v61;
	_ =	sdelay $0x1  }
0x429: {  	v3 =	vadd.s32 v1, v3;
	_ =	sdelay $0x2  }
0x42a: {  	[tilespmem:s20], [sflag:$0x4] =	stream.indirect_vreg.gather [hbm4b:s4+s3], $0x80, v4, vm0, $0xb8;
	[tilespmem:$0x19C00] =	vst v63  }
0x42b: {  	_ = 	snop  }
0x42c: {  	[tilespmem:s21], [sflag:$0x4] =	stream.indirect_vreg.gather [hbm4b:s4+s3], $0x80, v3, vm0, $0xb8;
	[tilespmem:$0x19C00] =	vst v63  }
0x42d: {  	v3 =	vld [tilespmem:s12+$0xFFFFFFF0];
	_ =	sdelay $0x4  }
0x42e: {  	v62 =	vperm.xlane v3, v0;
	_ =	sdelay $0x1  }
0x42f: {  	v3 =	vperm.xlane v3, v2;
	v4 =	vadd.s32 v1, v62;
	_ =	sdelay $0x1  }
0x430: {  	v3 =	vadd.s32 v1, v3;
	_ =	sdelay $0x2  }
0x431: {  	[tilespmem:s23], [sflag:$0x4] =	stream.indirect_vreg.gather [hbm4b:s4+s3], $0x80, v4, vm0, $0xb8;
	[tilespmem:$0x19C00] =	vst v63  }
0x432: {  	_ = 	snop  }
0x433: {  	[tilespmem:s24], [sflag:$0x4] =	stream.indirect_vreg.gather [hbm4b:s4+s3], $0x80, v3, vm0, $0xb8;
	[tilespmem:$0x19C00] =	vst v63  }
0x434: {  	v3 =	vld [tilespmem:s12+$0x0];
	_ =	sdelay $0x4  }
0x435: {  	v63 =	vperm.xlane v3, v0;
	_ =	sdelay $0x1  }
0x436: {  	v3 =	vperm.xlane v3, v2;
	v4 =	vadd.s32 v1, v63;
	_ =	sdelay $0x1  }
0x437: {  	v3 =	vadd.s32 v1, v3  }
.Ltmp3:
0x438: {  	_ = 	snop;
	(pc) =	sbr.rel .LBB2_2-.Ltmp3, $4  }
0x439: {  	_ = 	snop  }
0x43a: {  	[tilespmem:s25], [sflag:$0x4] =	stream.indirect_vreg.gather [hbm4b:s4+s3], $0x80, v4, vm0, $0xb8;
	[tilespmem:$0x19C00] =	vst v63  }
0x43b: {  	s14 =	sadd.s32 $0x3000, s14;
	s12 =	sadd.s32 $0x100, s12  }
0x43c: {  	[tilespmem:s26], [sflag:$0x4] =	stream.indirect_vreg.gather [hbm4b:s4+s3], $0x80, v3, vm0, $0xb8;
	[tilespmem:$0x19C00] =	vst v63  }
.LBB2_5:
0x43d: {  	_ =	sfence.sel $0x180000  }
0x43e: {  	[bflag:$0x0] =	sbarrier.arrive $0xFFFF  }
0x43f: {  	_ =	strace $0x90000047  }
0x440: {  	s0 =	stileid.u32;
	[bflag:$0x2] =	sbarrier.arrive $0xFFFF  }
0x441: {  	p0 =	sne.s32 s0, $0x0;
	s0 =	rddreg [dreg:$0x2]  }
0x442: {  	s0 =	sadd.s32 @!p0 $0x100000, s0  }
0x443: {  	[sflag:s0] =	ssyncadd.tile.s32 @!p0 $0x1;
	_ =	shalt  }
.Lfunc_end2:
_tile_overlayer_lowered:
.L_overlay_start_2:
0x444: {  	(tag) =	ssettag $0x2  }
0x445: {  	s0 =	rddreg [dreg:$0x0];
	s2 =	stileid.u32  }
0x446: {  	s1 =	rddreg [dreg:$0x1];
	p0 =	sne.s32 s2, $0x0  }
0x447: {  	s3 =	rddreg [dreg:$0x2];
	[bflag:$0x3] =	sbarrier.arrive $0xFFFF;
	s2 =	simm.s32 @!p0 $0x1C09  }
0x448: {  	[timem:s3], [sflag:s2] =	dma.local @!p0 [hbm:s0], s1  }
0x449: {  	s0 =	simm.s32 @!p0 $0x9  }
0x44a: {  	_ =	swait.ge @!p0 [sflag:s0], s1  }
0x44b: {  	s1 =	ssub.s32 @!p0 $0x0, s1;
	[sflag:s0] =	ssyncset.done @!p0 $0x0  }
0x44c: {  	[sflag:s0] =	ssyncadd.s32 @!p0 s1  }
0x44d: {  	[bflag:$0x3] =	sbarrier.arrive $0xFFFF  }
0x44e: {  	_ =	shalt  }

// kernel: sparse-core-data-format-call.cloned.1.call-start
scs
called_computation_lowered:
.L_overlay_start_0:
0x0: {  	s2 =	sld [smem:$0x3FD9]  }
0x1: {  	s3 =	sld [smem:$0x3FFE];
	_ =	sdelay $0x1  }
0x2: {  	s1 =	srdreg.scid  }
0x3: {  	s0 =	sand.u32 $0x1, s1  }
0x4: {  	s18 =	sshll.u32 s0, $0xA;
	s2 =	sadd.s32 s3, s2  }
0x5: {  	s2 =	sadd.s32 s2, s18  }
0x6: {  	[smem:$0x3FC6] =	sst s2  }
0x7: {  	_ = 	snop  }
0x8: {  	s2 =	sld [smem:$0x3FD0];
	(tm) =	ssettm $0x1  }
0x9: {  	s19 =	sld [smem:$0x3FFB];
	_ =	sdelay $0x3  }
0xa: {  	_ =	strace s19  }
0xb: {  	s3 =	sld [smem:$0x3FFC];
	_ =	sdelay $0x3  }
0xc: {  	_ =	strace s3  }
0xd: {  	s3 =	sld [smem:$0x3FFD];
	_ =	sdelay $0x3  }
0xe: {  	_ =	strace s3  }
0xf: {  	_ =	strace $0x8FFFFFFF  }
0x10: {  	s20 =	sld [smem:$0x3FDB];
	_ =	sdelay $0x1  }
0x11: {  	s4 =	simm.s32 $_scs_section_size  }
0x12: {  	s5 =	simm.s32 $_size__tile_overlayer_lowered;
	s6 =	simm.s32 $_tile_overlayer_lowered  }
0x13: {  	s23 =	simm.s32 $0x1BFF;
	s22 =	sshll.u32 s6, $0x1;
	s3 =	sadd.s32 s4, s20  }
0x14: {  	s7 =	simm.s32 $0x0;
	s21 =	sshll.u32 s5, $0x1;
	s5 =	sadd.s32 s22, s3  }
0x15: {  	[timem:s7], [sflag:s23] =	dma.local [hbm:s5], s21  }
0x16: {  	_ =	swait.ge [sflag:s23], s21  }
0x17: {  	s4 =	ssub.s32 $0x0, s21;
	[sflag:s23] =	ssyncset.done $0x0  }
0x18: {  	[sflag:s23] =	ssyncadd.s32 s4;
	_ =	sdelay $0x1  }
0x19: {  	s24 =	simm.s32 $0x1B8B  }
0x1a: {  	_ =	swait.ge [sflag:s24], $0x1  }
0x1b: {  	[sflag:s24] =	ssyncset.done $0x0  }
0x1c: {  	s26 =	simm.s32 $0x1B8E;
	s25 =	sld [smem:$0x3FFE];
	[sflag:s24] =	ssyncadd.s32 $0xFFFFFFFF  }
0x1d: {  	s27 =	simm.s32 $execute0_lowered;
	[smem:$0x3FD2] =	sst s26  }
0x1e: {  	s5 =	sshll.u32 s27, $0x1;
	_ =	strace $0x80000049;
	[dreg:$0x1] =	wrdreg $0xFFFFFFFF  }
0x1f: {  	s28 =	simm.s32 $_size_execute0_lowered;
	s3 =	sadd.s32 s3, s5;
	[dreg:$0x0] =	wrdreg $0x0  }
0x20: {  	s5 =	sshll.u32 s28, $0x1;
	[dreg:$0x2] =	wrdreg s3  }
0x21: {  	[dreg:$0x3] =	wrdreg s5  }
0x22: {  	[dreg:$0x4] =	wrdreg $0xC0  }
0x23: {  	_ =	task [dreg:s7], $0x5FFFF  }
0x24: {  	[dreg:$0x1] =	wrdreg $0xFFFFFFFF  }
0x25: {  	[dreg:$0x0] =	wrdreg $0x60  }
0x26: {  	[dreg:$0x2] =	wrdreg s25  }
0x27: {  	[dreg:$0x3] =	wrdreg s2  }
0x28: {  	[dreg:$0x4] =	wrdreg $0x9  }
0x29: {  	_ =	task.clear_ibuf [dreg:s7], $0x5FFFF;
	_ =	strace $0x90000049  }
0x2a: {  	s29 =	simm.s32 $0x9;
	_ =	strace $0x8000004B  }
0x2b: {  	_ =	swait.ge [sflag:s29], $0x1  }
0x2c: {  	[sflag:s29] =	ssyncadd.s32 $0xFFFFFFFF  }
0x2d: {  	_ =	strace $0x9000004B  }
0x2e: {  	_ =	sfence  }
0x2f: {  	s30 =	sld [smem:$0x0];
	_ =	sdelay $0x2  }
0x30: {  	s31 =	sshll.u32 s1, $0xD;
	s1 =	sshrl.u32 s1, $0x2  }
0x31: {  	s3 =	sand.u32 $0x4000, s31;
	s1 =	sadd.s32 s1, s30  }
0x32: {  	s0 =	sor.u32 s3, s0;
	s1 =	sshll.u32 s1, $0x11  }
0x33: {  	s0 =	sor.u32 s1, s0  }
0x34: {  	s0 =	sadd.s32 $0x8F2B, s0  }
0x35: {  	[sflag:s0] =	ssyncadd.remote.s32 $0x1  }
0x36: {  	_ =	sfence.sel $0xFFFF  }
0x37: {  	[dreg:$0x0] =	wrdreg $0xFFFFFFFF;
	(pc) =	sbr.abs _section_cstart, $3  }
0x38: {  	[dreg:$0x1] =	wrdreg $0xFFFFFFFF  }
0x39: {  	_ =	task.clear_ibuf [dreg:s7], $0x2FFFF;
	_ =	strace $0x9FFFFFFF  }
0x3a: {  	(tm) =	ssettm $0x7FFFFFFF  }
0x3b: {  	_ =	shalt  }
tec
execute0_lowered:
.L_overlay_start_1:
0x0: {  	(tag) =	ssettag $0x1  }
0x1: {  	s0 =	srdreg.scid;
	s6 =	rddreg [dreg:$0x0]  }
0x2: {  	s3 =	rddreg [dreg:$0x1];
	s1 =	sshll.u32 s0, $0x4  }
0x3: {  	s5 =	simm.s32 $0x1;
	s0 =	stileid.u32;
	s1 =	sand.u32 $0x10, s1  }
0x4: {  	s31 =	simm.s32 $0x2;
	s16 =	simm.s32 $0x0;
	s1 =	sor.u32 s0, s1  }
0x5: {  	s8 =	simm.s32 $0x8000;
	s18 =	simm.s32 $0x0;
	s2 =	sshll.u32 s1, $0x7  }
0x6: {  	s17 =	simm.s32 $0x0;
	s9 =	simm.s32 $0x0;
	s4 =	ssub.s32 $0x1000, s2  }
0x7: {  	s10 =	simm.s32 $0x0;
	s11 =	simm.s32 $0x0;
	s30 =	sand.u32 $0xF80, s4  }
0x8: {  	s12 =	simm.s32 $0x0;
	s13 =	simm.s32 $0x0;
	p0 =	sne.s32 s30, $0x0  }
.Ltmp0:
0x9: {  	s7 =	sshrl.u32 s4, $0xC;
	s5 =	simm.s32 @!p0 $0x0;
	(pc) =	sbr.rel .LBB1_1-.Ltmp0, $4  }
0xa: {  	s15 =	simm.s32 $0x0;
	s1 =	rddreg [dreg:$0x2];
	s5 =	sadd.s32 s5, s7  }
0xb: {  	_ =	strace $0x8000004A;
	s4 =	simm.s32 $0x1;
	s5 =	smul.u32 $0x96, s5  }
0xc: {  	s6 =	sadd.s32 $0x314C00, s6;
	s14 =	smov.u32 s2;
	[sflag:s4] =	ssyncpa.u1 $0x0  }
0xd: {  	[sflag:s31] =	ssyncpa.u1 $0x0;
	p0 =	por $0x0, $0x0;
	s7 =	sor.u32 $0x1, s5  }
.LBB1_4:
0xe: {  	s23 =	sshra.s32 s23, $0x2;
	s30 =	sshll.u32 s9, $0xC  }
0xf: {  	p1 =	sgt.s32 s10, $0x31;
	s24 =	smov.u32 s10;
	s25 =	sshra.s32 s10, $0x1F  }
0x10: {  	s26 =	sshll.u32 s11, $0x3;
	s28 =	smov.u32 s11;
	s29 =	sshra.s32 s11, $0x1F  }
0x11: {  	s22 =	sadd.s32 s23, s22;
	s24 =	simm.s32 @!p1 $0x31;
	s25 =	sand.u32 s25, s10  }
0x12: {  	s23 =	sand.u32 $0xFFFF8000, s30;
	s27 =	sand.u32 $0xFFFFFC00, s26;
	p1 =	sgt.s32 s9, $0xB0  }
0x13: {  	s31 =	sand.u32 s29, s11;
	s29 =	sshll.u32 s9, $0x7;
	s30 =	sshra.s32 s9, $0x1F  }
0x14: {  	[tilespmem:s21+$0x2040 ss:$0x81] =	vst.msk $0xffff, v4;
	s24 =	ssub.s32 s24, s25;
	s23 =	sadd.s32 s27, s23;
	s27 =	smov.u32 s9  }
0x15: {  	[tilespmem:s21+$0x2850 ss:$0x81] =	vst.msk $0xffff, v3;
	s29 =	sand.u32 $0x380, s29;
	s25 =	sadd.s32 $0xFFFFFFCF, s24;
	s27 =	simm.s32 @!p1 $0xB0  }
0x16: {  	v5 =	vld [tilespmem:s20+$0xFFFFFFD0];
	[tilespmem:s21+$0x3060 ss:$0x81] =	vst.msk $0xffff, v2;
	p1 =	sgt.s32 s11, $0xF80;
	s23 =	sshrl.u32 s23, $0xC;
	s24 =	ssub.s32 $0x32, s24  }
0x17: {  	v58 =	vld [tilespmem:s20+$0xFFFFFFE0];
	[tilespmem:s21+$0x0 ss:$0x81] =	vst.msk $0xffff, v1;
	s28 =	simm.s32 @!p1 $0xF80;
	p1 =	sgt.s32 s25, $0x0;
	s21 =	smulhi.u32 $0xD79436, s23  }
0x18: {  	v59 =	vld [tilespmem:s20+$0xFFFFFFF0];
	s25 =	ssub.s32 s28, s31;
	s28 =	sand.u32 s30, s9;
	s24 =	simm.s32 @p1 $0x0  }
0x19: {  	v60 =	vld [tilespmem:s20+$0x0];
	s27 =	ssub.s32 s27, s28;
	s31 =	sadd.s32 $0xFFFFF080, s25;
	s25 =	ssub.s32 $0x1000, s25  }
0x1a: {  	v61 =	vld [tilespmem:s20+$0x10];
	[tilespmem:s22+$0x3870 ss:$0x81] =	vst.msk $0xffff, v0;
	s21 =	smul.u32 $0x130, s21;
	s28 =	sand.u32 $0x7, s11;
	p1 =	sgt.s32 s31, $0x7F  }
0x1b: {  	v62 =	vld [tilespmem:s20+$0x20];
	[tilespmem:s22+$0x810 ss:$0x81] =	vst.msk $0xffff, v5;
	s30 =	sadd.s32 $0xFFFFFF50, s27;
	s31 =	sand.u32 $0x78, s11;
	s25 =	simm.s32 @p1 $0x0  }
0x1c: {  	v63 =	vld [tilespmem:s20+$0xFFFFFFC0];
	[tilespmem:s22+$0x1020 ss:$0x81] =	vst.msk $0xffff, v58;
	p1 =	sgt.s32 s30, $0x7F;
	s30 =	sand.u32 $0xC00, s26;
	s24 =	smul.u32 s25, s24  }
0x1d: {  	[tilespmem:s22+$0x1830 ss:$0x81] =	vst.msk $0xffff, v59;
	s26 =	ssub.s32 $0x130, s27;
	s20 =	sor.u32 s31, s30;
	s31 =	smul.u32 $0x26000, s10  }
0x1e: {  	[tilespmem:s22+$0x2040 ss:$0x81] =	vst.msk $0xffff, v60;
	s21 =	ssub.s32 s23, s21;
	s26 =	simm.s32 @p1 $0x0;
	s20 =	sor.u32 s29, s20  }
0x1f: {  	[tilespmem:s22+$0x2850 ss:$0x81] =	vst.msk $0xffff, v61;
	s26 =	smul.u32 s26, s24;
	s20 =	sshrl.u32 s20, $0x3;
	s27 =	sadd.s32 s3, s31  }
0x20: {  	[tilespmem:s22+$0x3060 ss:$0x81] =	vst.msk $0xffff, v62;
	s21 =	sshll.u32 s21, $0x9;
	s29 =	sshll.u32 s28, $0x12;
	s20 =	sadd.s32 s20, s27  }
0x21: {  	[tilespmem:s22+$0x0 ss:$0x81] =	vst.msk $0xffff, v63;
	s31 =	sor.u32 $0x400, s29;
	s30 =	sand.u32 $0x3FFFFFFF, s26;
	s20 =	sadd.s32 s21, s20  }
0x22: {  	[hbm4b:s20+s31] =	stream.strided.scatter [tilespmem:s19], [sflag:$0x2], s30, s8, s31, $0x20;
	[tilespmem:$0x10100] =	vst v63  }
.LBB1_5:
0x23: {  	p1 =	slt.u32 s15, $0x2  }
0x24: {  	p2 =	sgt.s32 @!p1 s18, $0x31  }
0x25: {  	s19 =	smov.u32 s18;
	s20 =	sshra.s32 @!p1 s18, $0x1F;
	p2 =	por !p2, p1  }
0x26: {  	s18 =	sand.u32 @!p1 s20, s18;
	s19 =	simm.s32 @p2 $0x31  }
0x27: {  	p3 =	sgt.s32 @!p1 s16, $0xB0;
	s18 =	ssub.s32 @!p1 s19, s18  }
0x28: {  	p4 =	sgt.s32 @!p1 s17, $0xF80;
	s21 =	sshra.s32 @!p1 s17, $0x1F;
	s19 =	sadd.s32 @!p1 $0xFFFFFFCF, s18  }
0x29: {  	s20 =	smov.u32 s16;
	p2 =	sgt.s32 @!p1 s19, $0x0;
	s19 =	sshra.s32 @!p1 s16, $0x1F  }
0x2a: {  	p4 =	por !p4, p1;
	s16 =	sand.u32 @!p1 s19, s16;
	s19 =	smov.u32 s17  }
0x2b: {  	p3 =	por !p3, p1;
	s17 =	sand.u32 @!p1 s21, s17;
	s19 =	simm.s32 @p4 $0xF80  }
0x2c: {  	s20 =	simm.s32 @p3 $0xB0;
	s18 =	ssub.s32 @!p1 $0x32, s18;
	s17 =	ssub.s32 @!p1 s19, s17  }
0x2d: {  	p2 =	por !p2, p1;
	s16 =	ssub.s32 @!p1 s20, s16;
	s20 =	sadd.s32 @!p1 $0xFFFFF080, s17  }
0x2e: {  	s18 =	simm.s32 @!p2 $0x0;
	p3 =	sgt.s32 @!p1 s20, $0x7F  }
0x2f: {  	s19 =	sadd.s32 @!p1 $0xFFFFFF50, s16;
	s17 =	ssub.s32 @!p1 $0x1000, s17;
	p3 =	por !p3, p1  }
0x30: {  	p2 =	sgt.s32 @!p1 s19, $0x7F;
	s19 =	sadd.s32 $0x80, s12;
	s17 =	simm.s32 @!p3 $0x0  }
0x31: {  	p3 =	sgt.s32 s19, $0x12B;
	s17 =	smul.u32 @!p1 s17, s18;
	s18 =	simm.s32 $0x1  }
0x32: {  	s16 =	ssub.s32 @!p1 $0x130, s16;
	p2 =	por !p2, p1;
	s18 =	simm.s32 @!p3 $0x0  }
0x33: {  	s21 =	smov.u32 s14;
	s16 =	simm.s32 @!p2 $0x0;
	s20 =	sadd.s32 s18, s13  }
0x34: {  	s16 =	smul.u32 @!p1 s16, s17;
	s17 =	sadd.s32 $0x1000, s14;
	p2 =	sgt.s32 s20, $0x31  }
0x35: {  	p0 =	por !p0, !p0;
	s22 =	simm.s32 @!p1 $0x2;
	s21 =	smov.u32 @p2 s17  }
0x36: {  	s19 =	simm.s32 @p3 $0x0;
	s20 =	simm.s32 @p2 $0x0;
	p2 =	sgt.s32 s21, $0xFFF  }
0x37: {  	s18 =	smov.u32 s10;
	s21 =	smov.u32 @p2 s2;
	p2 =	sne.s32 s15, s7  }
.Ltmp1:
0x38: {  	s10 =	smov.u32 s13;
	s16 =	sand.u32 @!p1 $0x3FFFFFFF, s16;
	(pc) =	sbr.rel @!p2 .LBB1_6-.Ltmp1, $4  }
0x39: {  	s17 =	smov.u32 s11;
	s11 =	smov.u32 s14;
	_ =	swait.ge @!p1 [sflag:s22], s16  }
0x3a: {  	s23 =	ssub.s32 @!p1 $0x0, s16;
	s16 =	smov.u32 s9;
	s9 =	smov.u32 s12  }
0x3b: {  	s12 =	smov.u32 s19;
	s13 =	smov.u32 s20;
	[sflag:s22] =	ssyncset.done @!p1 $0x0  }
0x3c: {  	s15 =	sadd.s32 $0x1, s15;
	[sflag:s22] =	ssyncadd.s32 @!p1 s23;
	s14 =	smov.u32 s21  }
.LBB1_1:
0x3d: {  	p1 =	sge.u32 s15, s5  }
0x3e: {  	s19 =	sshrl.u32 @!p1 s13, $0x3  }
0x3f: {  	s20 =	sshll.u32 @!p1 s12, $0x3;
	s19 =	smul.u32 @!p1 $0xC00, s19  }
0x40: {  	s21 =	sshll.u32 @!p1 s13, $0x7;
	s20 =	sand.u32 @!p1 $0xFFFFFC00, s20  }
0x41: {  	s19 =	sadd.s32 @!p1 s19, s20;
	s20 =	sand.u32 @!p1 $0x380, s21  }
0x42: {  	s19 =	sor.u32 @!p1 s20, s19  }
0x43: {  	s20 =	sand.u32 @!p1 $0x7F, s12;
	s21 =	smulhi.u32 @!p1 $0xAAAAAAAB, s19  }
0x44: {  	s19 =	sor.u32 @!p1 s20, s19  }
0x45: {  	s20 =	smulhi.u32 @!p1 $0xAAAAAAAB, s19;
	s21 =	sshrl.u32 @!p1 s21, $0x8  }
0x46: {  	s22 =	smulhi.u32 @!p1 $0x4924925, s21;
	_ =	sdelay $0x1  }
0x47: {  	s20 =	sshrl.u32 @!p1 s20, $0x8;
	s22 =	smul.u32 @!p1 $0x38, s22  }
0x48: {  	s31 =	sadd.s32 $0xFFFFFFFF, s15;
	s20 =	smul.u32 @!p1 $0x180, s20  }
0x49: {  	s23 =	sxor.u32 @!p1 $0xFFFFFFFF, s15;
	s21 =	ssub.s32 @!p1 s21, s22;
	s22 =	smul.u32 @!p1 $0xA80, s14  }
0x4a: {  	s23 =	sshll.u32 @!p1 s23, $0xE;
	s19 =	ssub.s32 @!p1 s19, s20;
	s20 =	smul.u32 @!p1 $0x30, s21  }
0x4b: {  	s21 =	sand.u32 @!p1 $0x4000, s23;
	s23 =	sand.u32 @!p1 $0x7, s19;
	s22 =	sadd.s32 @!p1 s6, s22  }
0x4c: {  	s19 =	sshrl.u32 @!p1 s19, $0x3;
	s20 =	sadd.s32 @!p1 s20, s22;
	s22 =	sshll.u32 @!p1 s23, $0x12  }
0x4d: {  	s19 =	sadd.s32 @!p1 s19, s20;
	s20 =	sor.u32 @!p1 $0x80, s22;
	s22 =	simm.s32 @!p1 $0x5400  }
0x4e: {  	[tilespmem:s21], [sflag:$0x1] =	stream.strided.gather @!p1 [hbm4b:s19+s20], $0x4000, s22, s20, $0x38;
	[tilespmem:$0x10100] =	vst v63  }
0x4f: {  	p1 =	sge.u32 s31, s5  }
.Ltmp2:
0x50: {  	_ = 	snop;
	(pc) =	sbr.rel @p1 .LBB1_5-.Ltmp2, $1  }
0x51: {  	_ =	sdelay $0x3  }
0x52: {  	s19 =	simm.s32 $0x1  }
0x53: {  	_ =	swait.ge [sflag:s4], $0x4000;
	s19 =	simm.s32 @!p0 $0x0  }
0x54: {  	[sflag:s4] =	ssyncset.done $0x0;
	s20 =	sshll.u32 s19, $0xE  }
0x55: {  	[sflag:s4] =	ssyncadd.s32 $0xFFFFC000;
	s20 =	sor.u32 $0x40, s20  }
0x56: {  	s19 =	smul.u32 $0x10200, s19;
	v0 =	vld [tilespmem:s20+$0x30]  }
0x57: {  	v1 =	vld [tilespmem:s20+$0xFFFFFFD0]  }
0x58: {  	s19 =	sshrl.u32 s19, $0x2;
	v5 =	vld [tilespmem:s20+$0xFFFFFFE0]  }
0x59: {  	v6 =	vld [tilespmem:s20+$0xFFFFFFF0];
	s22 =	sor.u32 $0x8000, s19  }
0x5a: {  	s31 =	sand.u32 $0x1, s15;
	v4 =	vld [tilespmem:s20+$0x0];
	s21 =	sadd.s32 $0x0, s22  }
0x5b: {  	v3 =	vld [tilespmem:s20+$0x10];
	s19 =	smul.u32 $0x10200, s31;
	[tilespmem:s21+$0x3870 ss:$0x81] =	vst.msk $0xffff, v0  }
0x5c: {  	v2 =	vld [tilespmem:s20+$0x20];
	[tilespmem:s21+$0x810 ss:$0x81] =	vst.msk $0xffff, v1  }
0x5d: {  	s19 =	sshrl.u32 s19, $0x2;
	v1 =	vld [tilespmem:s20+$0xFFFFFFC0];
	[tilespmem:s21+$0x1020 ss:$0x81] =	vst.msk $0xffff, v5;
	s20 =	sadd.s32 $0x80, s20  }
0x5e: {  	s23 =	simm.s32 $0x4;
	s24 =	simm.s32 $0x8;
	s19 =	sor.u32 $0x8000, s19;
	[tilespmem:s21+$0x1830 ss:$0x81] =	vst.msk $0xffff, v6;
	v0 =	vld [tilespmem:s20+$0x30]  }
.LBB1_3:
0x5f: {  	p1 =	sne.s32 s24, $0x1FC;
	v5 =	vld [tilespmem:s20+$0xFFFFFFD0];
	[tilespmem:s21+$0x2040 ss:$0x81] =	vst.msk $0xffff, v4  }
0x60: {  	v6 =	vld [tilespmem:s20+$0xFFFFFFE0];
	[tilespmem:s21+$0x2850 ss:$0x81] =	vst.msk $0xffff, v3  }
0x61: {  	s25 =	sshra.s32 s23, $0x2;
	s23 =	smov.u32 s24;
	v7 =	vld [tilespmem:s20+$0xFFFFFFF0];
	[tilespmem:s21+$0x3060 ss:$0x81] =	vst.msk $0xffff, v2  }
.Ltmp3:
0x62: {  	v4 =	vld [tilespmem:s20+$0x0];
	[tilespmem:s21+$0x0 ss:$0x81] =	vst.msk $0xffff, v1;
	s21 =	sadd.s32 s25, s22;
	(pc) =	sbr.rel @p1 .LBB1_3-.Ltmp3, $4  }
0x63: {  	v3 =	vld [tilespmem:s20+$0x10];
	[tilespmem:s21+$0x3870 ss:$0x81] =	vst.msk $0xffff, v0  }
0x64: {  	[tilespmem:s21+$0x810 ss:$0x81] =	vst.msk $0xffff, v5;
	v2 =	vld [tilespmem:s20+$0x20]  }
0x65: {  	v1 =	vld [tilespmem:s20+$0xFFFFFFC0];
	[tilespmem:s21+$0x1020 ss:$0x81] =	vst.msk $0xffff, v6;
	s20 =	sadd.s32 $0x80, s20  }
0x66: {  	s24 =	sadd.s32 $0x4, s24;
	v0 =	vld [tilespmem:s20+$0x30];
	[tilespmem:s21+$0x1830 ss:$0x81] =	vst.msk $0xffff, v7  }
.Ltmp4:
0x67: {  	_ = 	snop;
	(pc) =	sbr.rel .LBB1_4-.Ltmp4, $1  }
0x68: {  	_ =	sdelay $0x3  }
.LBB1_6:
0x69: {  	_ =	sfence.sel $0x180000  }
0x6a: {  	s2 =	simm.s32 $0x1;
	[bflag:$0x0] =	sbarrier.arrive $0xFFFF  }
0x6b: {  	s31 =	simm.s32 $0x2;
	[sflag:s2] =	ssyncpa.u1 $0x1  }
0x6c: {  	[sflag:s31] =	ssyncpa.u1 $0x1  }
0x6d: {  	p0 =	sne.s32 s0, $0x0;
	_ =	strace $0x9000004A  }
0x6e: {  	s0 =	sadd.s32 @!p0 $0x100000, s1;
	[bflag:$0x2] =	sbarrier.arrive $0xFFFF  }
0x6f: {  	[sflag:s0] =	ssyncadd.tile.s32 @!p0 $0x1;
	_ =	shalt  }
.Lfunc_end1:
_tile_overlayer_lowered:
.L_overlay_start_2:
0x70: {  	(tag) =	ssettag $0x2  }
0x71: {  	s0 =	rddreg [dreg:$0x0];
	s2 =	stileid.u32  }
0x72: {  	s1 =	rddreg [dreg:$0x1];
	p0 =	sne.s32 s2, $0x0  }
0x73: {  	s3 =	rddreg [dreg:$0x2];
	[bflag:$0x3] =	sbarrier.arrive $0xFFFF;
	s2 =	simm.s32 @!p0 $0x1C01  }
0x74: {  	[timem:s3], [sflag:s2] =	dma.local @!p0 [hbm:s0], s1  }
0x75: {  	s0 =	simm.s32 @!p0 $0x1  }
0x76: {  	_ =	swait.ge @!p0 [sflag:s0], s1  }
0x77: {  	s1 =	ssub.s32 @!p0 $0x0, s1;
	[sflag:s0] =	ssyncset.done @!p0 $0x0  }
0x78: {  	[sflag:s0] =	ssyncadd.s32 @!p0 s1  }
0x79: {  	[bflag:$0x3] =	sbarrier.arrive $0xFFFF  }
0x7a: {  	_ =	shalt  }

</sc_bundles>
